<compile_context>
chip_gen: v7x
topology: tpu7x:2x2x1
jax: 0.10.2.dev20260603
libtpu: 0.0.44.dev20260713+nightly
codegen_flags: <defaults>
</compile_context>

<pallas_src>
import jax
import jax.numpy as jnp
from jax import lax
from jax.experimental import pallas as pl
from jax.experimental.pallas import tpu as pltpu
from jax.experimental.pallas import tpu_sc as plsc

ROWS, N = 64, 8192
K = int(0.05 * N)
NC, NS, L = 2, 16, 16
NW = NC * NS
ROWS_SC = 32
ROWS_TC = ROWS - ROWS_SC
ROWS_PER_W = ROWS_SC // NW
NVEC = N // L
INT_MIN = -2147483648

S1 = 10
S2 = 32 - S1
PAD = 4 * L


def _ordered_bits_to_f32(cand_u):
    bits = jnp.where(cand_u < 0, cand_u ^ INT_MIN, ~cand_u)
    return lax.bitcast_convert_type(bits, jnp.float32)


def _body(x_hbm, out_hbm, x_v, cand_a, sem):
    wid = lax.axis_index("s") * NC + lax.axis_index("c")
    base = wid * ROWS_PER_W
    pltpu.sync_copy(x_hbm.at[pl.ds(base, ROWS_PER_W)], x_v)

    UNROLL = 8
    ONE = jnp.full((L,), 1, jnp.int32)
    ZERO = jnp.full((L,), 0, jnp.int32)
    NEG_INF = jnp.full((L,), -jnp.inf, jnp.float32)

    def lane_sum(acc):
        return jnp.sum(acc)

    def popcnt(m):
        return plsc.all_reduce_population_count(m)[0]

    for r in range(ROWS_PER_W):
        def bit_step(b, carry):
            prefix_u, cnt_p = carry
            cand_u = prefix_u | lax.shift_left(jnp.int32(1), 31 - b)
            cand_f = _ordered_bits_to_f32(cand_u)

            def count(j, accs):
                new = []
                for u in range(UNROLL):
                    xv = x_v[r, pl.ds((j * UNROLL + u) * L, L)]
                    new.append(accs[u] +
                               jnp.where(xv >= cand_f, ONE, ZERO))
                return tuple(new)

            accs = lax.fori_loop(0, NVEC // UNROLL, count,
                                 tuple(ZERO for _ in range(UNROLL)))
            acc = accs[0]
            for u in range(1, UNROLL):
                acc = acc + accs[u]
            cnt = lane_sum(acc)
            keep = cnt >= K
            return (jnp.where(keep, cand_u, prefix_u),
                    jnp.where(keep, cnt, cnt_p))

        prefix_u, cnt_p = lax.fori_loop(
            0, S1, bit_step, (jnp.int32(0), jnp.int32(0)))

        f_lo = _ordered_bits_to_f32(prefix_u)
        f_hi = _ordered_bits_to_f32(prefix_u + jnp.int32(1 << (32 - S1)))

        def compact1(j, off):
            for u in range(8):
                xv = x_v[r, pl.ds((j * 8 + u) * L, L)]
                m = (xv >= f_lo) & jnp.logical_not(xv >= f_hi)
                plsc.store_compressed(cand_a.at[pl.ds(off, L)], xv,
                                      mask=m)
                off = off + popcnt(m)
            return off

        n_w = lax.fori_loop(0, NVEC // 8, compact1, jnp.int32(0))
        for u in range(4):
            cand_a[pl.ds(n_w + u * L, L)] = NEG_INF
        above = cnt_p - n_w

        trip4 = (n_w + (4 * L - 1)) // (4 * L)

        def cstep2(b, carry):
            prefix_u, cnt_p = carry
            cand_u = prefix_u | lax.shift_left(jnp.int32(1),
                                               31 - S1 - b)
            cand_f = _ordered_bits_to_f32(cand_u)

            def count(j, accs):
                a0, a1, a2, a3 = accs
                base4 = j * (4 * L)
                a0 = a0 + jnp.where(cand_a[pl.ds(base4, L)] >= cand_f,
                                    ONE, ZERO)
                a1 = a1 + jnp.where(
                    cand_a[pl.ds(base4 + L, L)] >= cand_f, ONE, ZERO)
                a2 = a2 + jnp.where(
                    cand_a[pl.ds(base4 + 2 * L, L)] >= cand_f, ONE, ZERO)
                a3 = a3 + jnp.where(
                    cand_a[pl.ds(base4 + 3 * L, L)] >= cand_f, ONE, ZERO)
                return (a0, a1, a2, a3)

            accs = lax.fori_loop(0, trip4, count,
                                 (ZERO, ZERO, ZERO, ZERO))
            cnt = above + lane_sum(accs[0] + accs[1] + accs[2] + accs[3])
            keep = cnt >= K
            return (jnp.where(keep, cand_u, prefix_u),
                    jnp.where(keep, cnt, cnt_p))

        prefix_u, cnt_p = lax.fori_loop(0, S2, cstep2,
                                        (prefix_u, cnt_p))

        thr_f = _ordered_bits_to_f32(prefix_u)

        def mask_pass(j, carry):
            for u in range(UNROLL):
                sl = pl.ds((j * UNROLL + u) * L, L)
                xv = x_v[r, sl]
                x_v[r, sl] = jnp.where(xv >= thr_f, xv, jnp.float32(0.0))
            return carry

        lax.fori_loop(0, NVEC // UNROLL, mask_pass, jnp.int32(0))

    pltpu.sync_copy(x_v, out_hbm.at[pl.ds(base, ROWS_PER_W)])


def _tc_body(x_ref, o_ref):
    x = x_ref[...]
    xi = lax.bitcast_convert_type(x, jnp.int32)
    skey = jnp.where(xi >= 0, xi, xi ^ jnp.int32(0x7FFFFFFF))
    skey = jnp.where(xi == jnp.int32(INT_MIN), jnp.int32(0), skey)

    def bit_step(b, prefix_u):
        cand_u = prefix_u | lax.shift_left(jnp.int32(1), 31 - b)
        cand_s = cand_u ^ jnp.int32(INT_MIN)
        cnt = jnp.sum((skey >= cand_s).astype(jnp.int32), axis=1,
                      keepdims=True)
        return jnp.where(cnt >= K, cand_u, prefix_u)

    prefix_u = lax.fori_loop(
        0, 32, bit_step, jnp.zeros((ROWS_TC, 1), jnp.int32))
    thr_s = prefix_u ^ jnp.int32(INT_MIN)
    o_ref[...] = jnp.where(skey >= thr_s, x, jnp.float32(0.0))


@jax.jit
def kernel(x):
    mesh = plsc.VectorSubcoreMesh(
        core_axis_name="c", subcore_axis_name="s",
        num_cores=NC, num_subcores=NS)
    f_sc = pl.kernel(
        _body,
        out_type=jax.ShapeDtypeStruct((ROWS_SC, N), jnp.float32),
        mesh=mesh,
        compiler_params=pltpu.CompilerParams(needs_layout_passes=False),
        scratch_types=[
            pltpu.VMEM((ROWS_PER_W, N), jnp.float32),
            pltpu.VMEM((N + PAD,), jnp.float32),
            pltpu.SemaphoreType.DMA,
        ],
    )
    f_tc = pl.pallas_call(
        _tc_body,
        out_shape=jax.ShapeDtypeStruct((ROWS_TC, N), jnp.float32),
    )
    out_sc = f_sc(x[:ROWS_SC])
    out_tc = f_tc(x[ROWS_SC:])
    return jnp.concatenate([out_sc, out_tc], axis=0)

# --- scband reference (transcript-rebuilt; emitter-appended) ---
"""Pipeline reference for scband-kwta1d-69148973465606 (READ-ONLY COPY).

The authoritative reference and input builder live on the scoring server;
editing this copy changes nothing except your own understanding.
"""

import jax, jax.numpy as jnp
import numpy as np

RATIO = 0.05
LARGEST = True

def setup_inputs(seed: int = 0) -> dict:
    key = jax.random.key(seed)
    x = jax.random.normal(key, (64, 8192), dtype=jnp.float32)
    return {"x": x}

def reference(x):
    # KWTA1d with ratio=0.05, k=None -> reduction=onlyratiok -> k = int(ratio * N)
    k = int(RATIO * x.shape[1])
    # absolute=False -> noabs
    transfx = x
    # topk along dim=1, largest=True; take kth (last of top-k) value per row
    topvals, _ = jax.lax.top_k(transfx, k)
    topval = topvals[:, -1]
    # broadcast kth value across dim 1 (torch expand+permute)
    topval_b = jnp.broadcast_to(topval[:, None], transfx.shape)
    # flipcmp with largest=True: transfx >= topval
    comp = (transfx >= topval_b).astype(x.dtype)
    return comp * x

if __name__ == "__main__":
    import jax
    _d = setup_inputs()
    print(jax.jit(kernel)(*tuple(_d.values())))

</pallas_src>

<mosaic_0001>
#map = affine_map<(d0, d1) -> (0, 0)>
module attributes {stable_mosaic.version = 14 : i64} {
  func.func @_body(%arg0: i32, %arg1: i32, %arg2: memref<32x8192xf32, #tpu.memory_space<hbm>>, %arg3: memref<32x8192xf32, #tpu.memory_space<hbm>>, %arg4: memref<1x8192xf32, #tpu.memory_space<vmem>>, %arg5: memref<8256xf32, #tpu.memory_space<vmem>>, %arg6: memref<!tpu.dma_semaphore, #tpu.memory_space<semaphore_mem>>) attributes {dimension_semantics = [#tpu.dimension_semantics<core_parallel>, #tpu.dimension_semantics<subcore_parallel>], iteration_bounds = array<i64: 2, 16>, scalar_prefetch = 0 : i64, scratch_operands = 3 : i64, tpu.core_type = #tpu.core_type<sc_vector_subcore>, window_params = [{transform_indices = #map}, {transform_indices = #map}]} {
    %mul3A = arith.constant 2 : i32
    %mul3A_0 = arith.muli %arg1, %mul3A : i32
    %add3A = arith.addi %mul3A_0, %arg0 : i32
    %mul3A_1 = arith.constant 1 : i32
    %mul3A_2 = arith.muli %add3A, %mul3A_1 : i32
    "tpu.region"() ({
      %run_scoped3A = tpu.sem_alloc : memref<!tpu.dma_semaphore, #tpu.memory_space<semaphore_mem>>
      %dma_start3A = arith.constant 0 : i32
      %dma_start3A_90 = tpu.memref_slice %arg2[%mul3A_2, %dma_start3A] : memref<32x8192xf32, #tpu.memory_space<hbm>> -> memref<1x8192xf32, #tpu.memory_space<hbm>>
      %dma_start3A_91 = arith.constant 0 : i32
      %dma_start3A_92 = tpu.memref_slice %arg2[%mul3A_2, %dma_start3A_91] : memref<32x8192xf32, #tpu.memory_space<hbm>> -> memref<1x8192xf32, #tpu.memory_space<hbm>>
      tpu.enqueue_dma source(%dma_start3A_92 : memref<1x8192xf32, #tpu.memory_space<hbm>>) target(%arg4 : memref<1x8192xf32, #tpu.memory_space<vmem>>) target_semaphore(%run_scoped3A : memref<!tpu.dma_semaphore, #tpu.memory_space<semaphore_mem>>)
      %dma_wait3A = arith.constant 0 : i32
      %dma_wait3A_93 = tpu.memref_slice %arg2[%mul3A_2, %dma_wait3A] : memref<32x8192xf32, #tpu.memory_space<hbm>> -> memref<1x8192xf32, #tpu.memory_space<hbm>>
      %dma_wait3A_94 = arith.constant 0 : i32
      %dma_wait3A_95 = tpu.memref_slice %arg2[%mul3A_2, %dma_wait3A_94] : memref<32x8192xf32, #tpu.memory_space<hbm>> -> memref<1x8192xf32, #tpu.memory_space<hbm>>
      tpu.wait_dma2 semaphore(%run_scoped3A : memref<!tpu.dma_semaphore, #tpu.memory_space<semaphore_mem>>) src(%dma_wait3A_95 : memref<1x8192xf32, #tpu.memory_space<hbm>>) dst(%arg4 : memref<1x8192xf32, #tpu.memory_space<vmem>>)
      tpu.yield
    }) : () -> ()
    %broadcast_in_dim3A = arith.constant 1 : i32
    %broadcast_in_dim3A_3 = vector.broadcast %broadcast_in_dim3A : i32 to vector<16xi32>
    %broadcast_in_dim3A_4 = arith.constant 0 : i32
    %broadcast_in_dim3A_5 = vector.broadcast %broadcast_in_dim3A_4 : i32 to vector<16xi32>
    %broadcast_in_dim3A_6 = arith.constant 0xFF800000 : f32
    %broadcast_in_dim3A_7 = vector.broadcast %broadcast_in_dim3A_6 : f32 to vector<16xf32>
    %scan3A = arith.constant 0 : i32
    %scan3A_8 = arith.constant 0 : i32
    %scan3A_9 = arith.constant 0 : i32
    %scan3A_10 = arith.constant 10 : i32
    %scan3A_11 = arith.addi %scan3A_9, %scan3A_10 : i32
    %scan3A_12 = arith.constant 1 : i32
    %scan3A_13:2 = scf.for %scan3A_90 = %scan3A_9 to %scan3A_11 step %scan3A_12 iter_args(%scan3A_91 = %scan3A, %scan3A_92 = %scan3A_8) -> (i32, i32)  : i32 {
      %sub3A_93 = arith.constant 31 : i32
      %sub3A_94 = arith.subi %sub3A_93, %scan3A_90 : i32
      %shift_left3A = arith.constant 1 : i32
      %shift_left3A_95 = arith.shli %shift_left3A, %sub3A_94 : i32
      %or3A = arith.ori %scan3A_91, %shift_left3A_95 : i32
      %lt3A_96 = arith.constant 0 : i32
      %lt3A_97 = arith.cmpi slt, %or3A, %lt3A_96 : i32
      %xor3A_98 = arith.constant -2147483648 : i32
      %xor3A_99 = arith.xori %or3A, %xor3A_98 : i32
      %not3A_100 = arith.constant -1 : i32
      %not3A_101 = arith.xori %or3A, %not3A_100 : i32
      %select_n3A_102 = arith.select %lt3A_97, %xor3A_99, %not3A_101 : i32
      %bitcast_convert_type3A_103 = arith.bitcast %select_n3A_102 : i32 to f32
      %scan3A_104 = arith.constant 0 : i32
      %scan3A_105 = arith.constant 64 : i32
      %scan3A_106 = arith.addi %scan3A_104, %scan3A_105 : i32
      %scan3A_107 = arith.constant 1 : i32
      %scan3A_108:8 = scf.for %scan3A_123 = %scan3A_104 to %scan3A_106 step %scan3A_107 iter_args(%scan3A_124 = %broadcast_in_dim3A_5, %scan3A_125 = %broadcast_in_dim3A_5, %scan3A_126 = %broadcast_in_dim3A_5, %scan3A_127 = %broadcast_in_dim3A_5, %scan3A_128 = %broadcast_in_dim3A_5, %scan3A_129 = %broadcast_in_dim3A_5, %scan3A_130 = %broadcast_in_dim3A_5, %scan3A_131 = %broadcast_in_dim3A_5) -> (vector<16xi32>, vector<16xi32>, vector<16xi32>, vector<16xi32>, vector<16xi32>, vector<16xi32>, vector<16xi32>, vector<16xi32>)  : i32 {
        %mul3A_132 = arith.constant 8 : i32
        %mul3A_133 = arith.muli %scan3A_123, %mul3A_132 : i32
        %add3A_134 = arith.constant 0 : i32
        %add3A_135 = arith.addi %mul3A_133, %add3A_134 : i32
        %mul3A_136 = arith.constant 16 : i32
        %mul3A_137 = arith.muli %add3A_135, %mul3A_136 : i32
        %get3A = arith.constant 0 : i32
        %get3A_138 = arith.index_cast %get3A : i32 to index
        %get3A_139 = arith.index_cast %mul3A_137 : i32 to index
        %get3A_140 = tpu.vector_load %arg4[%get3A_138, %get3A_139] {strides = array<i32>} : memref<1x8192xf32, #tpu.memory_space<vmem>>, vector<16xf32>,
        %ge3A_141 = vector.broadcast %bitcast_convert_type3A_103 : f32 to vector<16xf32>
        %ge3A_142 = arith.cmpf oge, %get3A_140, %ge3A_141 : vector<16xf32>
        %select_n3A_143 = arith.select %ge3A_142, %broadcast_in_dim3A_3, %broadcast_in_dim3A_5 : vector<16xi1>, vector<16xi32>
        %add3A_144 = arith.addi %scan3A_124, %select_n3A_143 : vector<16xi32>
        %mul3A_145 = arith.constant 8 : i32
        %mul3A_146 = arith.muli %scan3A_123, %mul3A_145 : i32
        %add3A_147 = arith.constant 1 : i32
        %add3A_148 = arith.addi %mul3A_146, %add3A_147 : i32
        %mul3A_149 = arith.constant 16 : i32
        %mul3A_150 = arith.muli %add3A_148, %mul3A_149 : i32
        %get3A_151 = arith.constant 0 : i32
        %get3A_152 = arith.index_cast %get3A_151 : i32 to index
        %get3A_153 = arith.index_cast %mul3A_150 : i32 to index
        %get3A_154 = tpu.vector_load %arg4[%get3A_152, %get3A_153] {strides = array<i32>} : memref<1x8192xf32, #tpu.memory_space<vmem>>, vector<16xf32>,
        %ge3A_155 = vector.broadcast %bitcast_convert_type3A_103 : f32 to vector<16xf32>
        %ge3A_156 = arith.cmpf oge, %get3A_154, %ge3A_155 : vector<16xf32>
        %select_n3A_157 = arith.select %ge3A_156, %broadcast_in_dim3A_3, %broadcast_in_dim3A_5 : vector<16xi1>, vector<16xi32>
        %add3A_158 = arith.addi %scan3A_125, %select_n3A_157 : vector<16xi32>
        %mul3A_159 = arith.constant 8 : i32
        %mul3A_160 = arith.muli %scan3A_123, %mul3A_159 : i32
        %add3A_161 = arith.constant 2 : i32
        %add3A_162 = arith.addi %mul3A_160, %add3A_161 : i32
        %mul3A_163 = arith.constant 16 : i32
        %mul3A_164 = arith.muli %add3A_162, %mul3A_163 : i32
        %get3A_165 = arith.constant 0 : i32
        %get3A_166 = arith.index_cast %get3A_165 : i32 to index
        %get3A_167 = arith.index_cast %mul3A_164 : i32 to index
        %get3A_168 = tpu.vector_load %arg4[%get3A_166, %get3A_167] {strides = array<i32>} : memref<1x8192xf32, #tpu.memory_space<vmem>>, vector<16xf32>,
        %ge3A_169 = vector.broadcast %bitcast_convert_type3A_103 : f32 to vector<16xf32>
        %ge3A_170 = arith.cmpf oge, %get3A_168, %ge3A_169 : vector<16xf32>
        %select_n3A_171 = arith.select %ge3A_170, %broadcast_in_dim3A_3, %broadcast_in_dim3A_5 : vector<16xi1>, vector<16xi32>
        %add3A_172 = arith.addi %scan3A_126, %select_n3A_171 : vector<16xi32>
        %mul3A_173 = arith.constant 8 : i32
        %mul3A_174 = arith.muli %scan3A_123, %mul3A_173 : i32
        %add3A_175 = arith.constant 3 : i32
        %add3A_176 = arith.addi %mul3A_174, %add3A_175 : i32
        %mul3A_177 = arith.constant 16 : i32
        %mul3A_178 = arith.muli %add3A_176, %mul3A_177 : i32
        %get3A_179 = arith.constant 0 : i32
        %get3A_180 = arith.index_cast %get3A_179 : i32 to index
        %get3A_181 = arith.index_cast %mul3A_178 : i32 to index
        %get3A_182 = tpu.vector_load %arg4[%get3A_180, %get3A_181] {strides = array<i32>} : memref<1x8192xf32, #tpu.memory_space<vmem>>, vector<16xf32>,
        %ge3A_183 = vector.broadcast %bitcast_convert_type3A_103 : f32 to vector<16xf32>
        %ge3A_184 = arith.cmpf oge, %get3A_182, %ge3A_183 : vector<16xf32>
        %select_n3A_185 = arith.select %ge3A_184, %broadcast_in_dim3A_3, %broadcast_in_dim3A_5 : vector<16xi1>, vector<16xi32>
        %add3A_186 = arith.addi %scan3A_127, %select_n3A_185 : vector<16xi32>
        %mul3A_187 = arith.constant 8 : i32
        %mul3A_188 = arith.muli %scan3A_123, %mul3A_187 : i32
        %add3A_189 = arith.constant 4 : i32
        %add3A_190 = arith.addi %mul3A_188, %add3A_189 : i32
        %mul3A_191 = arith.constant 16 : i32
        %mul3A_192 = arith.muli %add3A_190, %mul3A_191 : i32
        %get3A_193 = arith.constant 0 : i32
        %get3A_194 = arith.index_cast %get3A_193 : i32 to index
        %get3A_195 = arith.index_cast %mul3A_192 : i32 to index
        %get3A_196 = tpu.vector_load %arg4[%get3A_194, %get3A_195] {strides = array<i32>} : memref<1x8192xf32, #tpu.memory_space<vmem>>, vector<16xf32>,
        %ge3A_197 = vector.broadcast %bitcast_convert_type3A_103 : f32 to vector<16xf32>
        %ge3A_198 = arith.cmpf oge, %get3A_196, %ge3A_197 : vector<16xf32>
        %select_n3A_199 = arith.select %ge3A_198, %broadcast_in_dim3A_3, %broadcast_in_dim3A_5 : vector<16xi1>, vector<16xi32>
        %add3A_200 = arith.addi %scan3A_128, %select_n3A_199 : vector<16xi32>
        %mul3A_201 = arith.constant 8 : i32
        %mul3A_202 = arith.muli %scan3A_123, %mul3A_201 : i32
        %add3A_203 = arith.constant 5 : i32
        %add3A_204 = arith.addi %mul3A_202, %add3A_203 : i32
        %mul3A_205 = arith.constant 16 : i32
        %mul3A_206 = arith.muli %add3A_204, %mul3A_205 : i32
        %get3A_207 = arith.constant 0 : i32
        %get3A_208 = arith.index_cast %get3A_207 : i32 to index
        %get3A_209 = arith.index_cast %mul3A_206 : i32 to index
        %get3A_210 = tpu.vector_load %arg4[%get3A_208, %get3A_209] {strides = array<i32>} : memref<1x8192xf32, #tpu.memory_space<vmem>>, vector<16xf32>,
        %ge3A_211 = vector.broadcast %bitcast_convert_type3A_103 : f32 to vector<16xf32>
        %ge3A_212 = arith.cmpf oge, %get3A_210, %ge3A_211 : vector<16xf32>
        %select_n3A_213 = arith.select %ge3A_212, %broadcast_in_dim3A_3, %broadcast_in_dim3A_5 : vector<16xi1>, vector<16xi32>
        %add3A_214 = arith.addi %scan3A_129, %select_n3A_213 : vector<16xi32>
        %mul3A_215 = arith.constant 8 : i32
        %mul3A_216 = arith.muli %scan3A_123, %mul3A_215 : i32
        %add3A_217 = arith.constant 6 : i32
        %add3A_218 = arith.addi %mul3A_216, %add3A_217 : i32
        %mul3A_219 = arith.constant 16 : i32
        %mul3A_220 = arith.muli %add3A_218, %mul3A_219 : i32
        %get3A_221 = arith.constant 0 : i32
        %get3A_222 = arith.index_cast %get3A_221 : i32 to index
        %get3A_223 = arith.index_cast %mul3A_220 : i32 to index
        %get3A_224 = tpu.vector_load %arg4[%get3A_222, %get3A_223] {strides = array<i32>} : memref<1x8192xf32, #tpu.memory_space<vmem>>, vector<16xf32>,
        %ge3A_225 = vector.broadcast %bitcast_convert_type3A_103 : f32 to vector<16xf32>
        %ge3A_226 = arith.cmpf oge, %get3A_224, %ge3A_225 : vector<16xf32>
        %select_n3A_227 = arith.select %ge3A_226, %broadcast_in_dim3A_3, %broadcast_in_dim3A_5 : vector<16xi1>, vector<16xi32>
        %add3A_228 = arith.addi %scan3A_130, %select_n3A_227 : vector<16xi32>
        %mul3A_229 = arith.constant 8 : i32
        %mul3A_230 = arith.muli %scan3A_123, %mul3A_229 : i32
        %add3A_231 = arith.constant 7 : i32
        %add3A_232 = arith.addi %mul3A_230, %add3A_231 : i32
        %mul3A_233 = arith.constant 16 : i32
        %mul3A_234 = arith.muli %add3A_232, %mul3A_233 : i32
        %get3A_235 = arith.constant 0 : i32
        %get3A_236 = arith.index_cast %get3A_235 : i32 to index
        %get3A_237 = arith.index_cast %mul3A_234 : i32 to index
        %get3A_238 = tpu.vector_load %arg4[%get3A_236, %get3A_237] {strides = array<i32>} : memref<1x8192xf32, #tpu.memory_space<vmem>>, vector<16xf32>,
        %ge3A_239 = vector.broadcast %bitcast_convert_type3A_103 : f32 to vector<16xf32>
        %ge3A_240 = arith.cmpf oge, %get3A_238, %ge3A_239 : vector<16xf32>
        %select_n3A_241 = arith.select %ge3A_240, %broadcast_in_dim3A_3, %broadcast_in_dim3A_5 : vector<16xi1>, vector<16xi32>
        %add3A_242 = arith.addi %scan3A_131, %select_n3A_241 : vector<16xi32>
        scf.yield %add3A_144, %add3A_158, %add3A_172, %add3A_186, %add3A_200, %add3A_214, %add3A_228, %add3A_242 : vector<16xi32>, vector<16xi32>, vector<16xi32>, vector<16xi32>, vector<16xi32>, vector<16xi32>, vector<16xi32>, vector<16xi32>
      }
      %scan3A_109 = arith.constant 64 : i32
      %add3A_110 = arith.addi %scan3A_108#0, %scan3A_108#1 : vector<16xi32>
      %add3A_111 = arith.addi %add3A_110, %scan3A_108#2 : vector<16xi32>
      %add3A_112 = arith.addi %add3A_111, %scan3A_108#3 : vector<16xi32>
      %add3A_113 = arith.addi %add3A_112, %scan3A_108#4 : vector<16xi32>
      %add3A_114 = arith.addi %add3A_113, %scan3A_108#5 : vector<16xi32>
      %add3A_115 = arith.addi %add3A_114, %scan3A_108#6 : vector<16xi32>
      %add3A_116 = arith.addi %add3A_115, %scan3A_108#7 : vector<16xi32>
      %reduce_sum3A = arith.constant true
      %reduce_sum3A_117 = vector.broadcast %reduce_sum3A : i1 to vector<16xi1>
      %reduce_sum3A_118 = tpu.scan <sum>, %add3A_116 masked %reduce_sum3A_117 : vector<16xi32>, vector<16xi1> -> vector<16xi32>
      %reduce_sum3A_119 = vector.extract %reduce_sum3A_118[15] : i32 from vector<16xi32>
      %ge3A = arith.constant 409 : i32
      %ge3A_120 = arith.cmpi sge, %reduce_sum3A_119, %ge3A : i32
      %select_n3A_121 = arith.select %ge3A_120, %or3A, %scan3A_91 : i32
      %select_n3A_122 = arith.select %ge3A_120, %reduce_sum3A_119, %scan3A_92 : i32
      scf.yield %select_n3A_121, %select_n3A_122 : i32, i32
    }
    %scan3A_14 = arith.constant 10 : i32
    %lt3A = arith.constant 0 : i32
    %lt3A_15 = arith.cmpi slt, %scan3A_13#0, %lt3A : i32
    %xor3A = arith.constant -2147483648 : i32
    %xor3A_16 = arith.xori %scan3A_13#0, %xor3A : i32
    %not3A = arith.constant -1 : i32
    %not3A_17 = arith.xori %scan3A_13#0, %not3A : i32
    %select_n3A = arith.select %lt3A_15, %xor3A_16, %not3A_17 : i32
    %bitcast_convert_type3A = arith.bitcast %select_n3A : i32 to f32
    %add3A_18 = arith.constant 4194304 : i32
    %add3A_19 = arith.addi %scan3A_13#0, %add3A_18 : i32
    %lt3A_20 = arith.constant 0 : i32
    %lt3A_21 = arith.cmpi slt, %add3A_19, %lt3A_20 : i32
    %xor3A_22 = arith.constant -2147483648 : i32
    %xor3A_23 = arith.xori %add3A_19, %xor3A_22 : i32
    %not3A_24 = arith.constant -1 : i32
    %not3A_25 = arith.xori %add3A_19, %not3A_24 : i32
    %select_n3A_26 = arith.select %lt3A_21, %xor3A_23, %not3A_25 : i32
    %bitcast_convert_type3A_27 = arith.bitcast %select_n3A_26 : i32 to f32
    %scan3A_28 = arith.constant 0 : i32
    %scan3A_29 = arith.constant 0 : i32
    %scan3A_30 = arith.constant 64 : i32
    %scan3A_31 = arith.addi %scan3A_29, %scan3A_30 : i32
    %scan3A_32 = arith.constant 1 : i32
    %scan3A_33 = scf.for %scan3A_90 = %scan3A_29 to %scan3A_31 step %scan3A_32 iter_args(%scan3A_91 = %scan3A_28) -> (i32)  : i32 {
      %mul3A_92 = arith.constant 8 : i32
      %mul3A_93 = arith.muli %scan3A_90, %mul3A_92 : i32
      %add3A_94 = arith.constant 0 : i32
      %add3A_95 = arith.addi %mul3A_93, %add3A_94 : i32
      %mul3A_96 = arith.constant 16 : i32
      %mul3A_97 = arith.muli %add3A_95, %mul3A_96 : i32
      %get3A = arith.constant 0 : i32
      %get3A_98 = arith.index_cast %get3A : i32 to index
      %get3A_99 = arith.index_cast %mul3A_97 : i32 to index
      %get3A_100 = tpu.vector_load %arg4[%get3A_98, %get3A_99] {strides = array<i32>} : memref<1x8192xf32, #tpu.memory_space<vmem>>, vector<16xf32>,
      %ge3A = vector.broadcast %bitcast_convert_type3A : f32 to vector<16xf32>
      %ge3A_101 = arith.cmpf oge, %get3A_100, %ge3A : vector<16xf32>
      %ge3A_102 = vector.broadcast %bitcast_convert_type3A_27 : f32 to vector<16xf32>
      %ge3A_103 = arith.cmpf oge, %get3A_100, %ge3A_102 : vector<16xf32>
      %not3A_104 = arith.constant dense<true> : vector<16xi1>
      %not3A_105 = arith.xori %ge3A_103, %not3A_104 : vector<16xi1>
      %and3A_106 = arith.andi %ge3A_101, %not3A_105 : vector<16xi1>
      %swap3A_107 = arith.index_cast %scan3A_91 : i32 to index
      %swap3A_108 = tpu.vector_load %arg5[%swap3A_107] masked %and3A_106 {strides = array<i32>} : memref<8256xf32, #tpu.memory_space<vmem>>, vector<16xf32>, vector<16xi1>
      tpu.vector_store %arg5[%swap3A_107], %get3A_100 masked %and3A_106 {strides = array<i32>} : memref<8256xf32, #tpu.memory_space<vmem>>, vector<16xf32>, vector<16xi1>
      %all_reduce_population_count3A = tpu.all_reduce %and3A_106 {dim = 0 : i64, kind = #tpu.reduction_kind<sum>} : vector<16xi1> -> vector<16xi32>
      %slice3A = vector.extract_strided_slice %all_reduce_population_count3A {offsets = [0], sizes = [1], strides = [1]} : vector<16xi32> to vector<1xi32>
      %squeeze3A = vector.extract %slice3A[0] : i32 from vector<1xi32>
      %add3A_109 = arith.addi %scan3A_91, %squeeze3A : i32
      %mul3A_110 = arith.constant 8 : i32
      %mul3A_111 = arith.muli %scan3A_90, %mul3A_110 : i32
      %add3A_112 = arith.constant 1 : i32
      %add3A_113 = arith.addi %mul3A_111, %add3A_112 : i32
      %mul3A_114 = arith.constant 16 : i32
      %mul3A_115 = arith.muli %add3A_113, %mul3A_114 : i32
      %get3A_116 = arith.constant 0 : i32
      %get3A_117 = arith.index_cast %get3A_116 : i32 to index
      %get3A_118 = arith.index_cast %mul3A_115 : i32 to index
      %get3A_119 = tpu.vector_load %arg4[%get3A_117, %get3A_118] {strides = array<i32>} : memref<1x8192xf32, #tpu.memory_space<vmem>>, vector<16xf32>,
      %ge3A_120 = vector.broadcast %bitcast_convert_type3A : f32 to vector<16xf32>
      %ge3A_121 = arith.cmpf oge, %get3A_119, %ge3A_120 : vector<16xf32>
      %ge3A_122 = vector.broadcast %bitcast_convert_type3A_27 : f32 to vector<16xf32>
      %ge3A_123 = arith.cmpf oge, %get3A_119, %ge3A_122 : vector<16xf32>
      %not3A_124 = arith.constant dense<true> : vector<16xi1>
      %not3A_125 = arith.xori %ge3A_123, %not3A_124 : vector<16xi1>
      %and3A_126 = arith.andi %ge3A_121, %not3A_125 : vector<16xi1>
      %swap3A_127 = arith.index_cast %add3A_109 : i32 to index
      %swap3A_128 = tpu.vector_load %arg5[%swap3A_127] masked %and3A_126 {strides = array<i32>} : memref<8256xf32, #tpu.memory_space<vmem>>, vector<16xf32>, vector<16xi1>
      tpu.vector_store %arg5[%swap3A_127], %get3A_119 masked %and3A_126 {strides = array<i32>} : memref<8256xf32, #tpu.memory_space<vmem>>, vector<16xf32>, vector<16xi1>
      %all_reduce_population_count3A_129 = tpu.all_reduce %and3A_126 {dim = 0 : i64, kind = #tpu.reduction_kind<sum>} : vector<16xi1> -> vector<16xi32>
      %slice3A_130 = vector.extract_strided_slice %all_reduce_population_count3A_129 {offsets = [0], sizes = [1], strides = [1]} : vector<16xi32> to vector<1xi32>
      %squeeze3A_131 = vector.extract %slice3A_130[0] : i32 from vector<1xi32>
      %add3A_132 = arith.addi %add3A_109, %squeeze3A_131 : i32
      %mul3A_133 = arith.constant 8 : i32
      %mul3A_134 = arith.muli %scan3A_90, %mul3A_133 : i32
      %add3A_135 = arith.constant 2 : i32
      %add3A_136 = arith.addi %mul3A_134, %add3A_135 : i32
      %mul3A_137 = arith.constant 16 : i32
      %mul3A_138 = arith.muli %add3A_136, %mul3A_137 : i32
      %get3A_139 = arith.constant 0 : i32
      %get3A_140 = arith.index_cast %get3A_139 : i32 to index
      %get3A_141 = arith.index_cast %mul3A_138 : i32 to index
      %get3A_142 = tpu.vector_load %arg4[%get3A_140, %get3A_141] {strides = array<i32>} : memref<1x8192xf32, #tpu.memory_space<vmem>>, vector<16xf32>,
      %ge3A_143 = vector.broadcast %bitcast_convert_type3A : f32 to vector<16xf32>
      %ge3A_144 = arith.cmpf oge, %get3A_142, %ge3A_143 : vector<16xf32>
      %ge3A_145 = vector.broadcast %bitcast_convert_type3A_27 : f32 to vector<16xf32>
      %ge3A_146 = arith.cmpf oge, %get3A_142, %ge3A_145 : vector<16xf32>
      %not3A_147 = arith.constant dense<true> : vector<16xi1>
      %not3A_148 = arith.xori %ge3A_146, %not3A_147 : vector<16xi1>
      %and3A_149 = arith.andi %ge3A_144, %not3A_148 : vector<16xi1>
      %swap3A_150 = arith.index_cast %add3A_132 : i32 to index
      %swap3A_151 = tpu.vector_load %arg5[%swap3A_150] masked %and3A_149 {strides = array<i32>} : memref<8256xf32, #tpu.memory_space<vmem>>, vector<16xf32>, vector<16xi1>
      tpu.vector_store %arg5[%swap3A_150], %get3A_142 masked %and3A_149 {strides = array<i32>} : memref<8256xf32, #tpu.memory_space<vmem>>, vector<16xf32>, vector<16xi1>
      %all_reduce_population_count3A_152 = tpu.all_reduce %and3A_149 {dim = 0 : i64, kind = #tpu.reduction_kind<sum>} : vector<16xi1> -> vector<16xi32>
      %slice3A_153 = vector.extract_strided_slice %all_reduce_population_count3A_152 {offsets = [0], sizes = [1], strides = [1]} : vector<16xi32> to vector<1xi32>
      %squeeze3A_154 = vector.extract %slice3A_153[0] : i32 from vector<1xi32>
      %add3A_155 = arith.addi %add3A_132, %squeeze3A_154 : i32
      %mul3A_156 = arith.constant 8 : i32
      %mul3A_157 = arith.muli %scan3A_90, %mul3A_156 : i32
      %add3A_158 = arith.constant 3 : i32
      %add3A_159 = arith.addi %mul3A_157, %add3A_158 : i32
      %mul3A_160 = arith.constant 16 : i32
      %mul3A_161 = arith.muli %add3A_159, %mul3A_160 : i32
      %get3A_162 = arith.constant 0 : i32
      %get3A_163 = arith.index_cast %get3A_162 : i32 to index
      %get3A_164 = arith.index_cast %mul3A_161 : i32 to index
      %get3A_165 = tpu.vector_load %arg4[%get3A_163, %get3A_164] {strides = array<i32>} : memref<1x8192xf32, #tpu.memory_space<vmem>>, vector<16xf32>,
      %ge3A_166 = vector.broadcast %bitcast_convert_type3A : f32 to vector<16xf32>
      %ge3A_167 = arith.cmpf oge, %get3A_165, %ge3A_166 : vector<16xf32>
      %ge3A_168 = vector.broadcast %bitcast_convert_type3A_27 : f32 to vector<16xf32>
      %ge3A_169 = arith.cmpf oge, %get3A_165, %ge3A_168 : vector<16xf32>
      %not3A_170 = arith.constant dense<true> : vector<16xi1>
      %not3A_171 = arith.xori %ge3A_169, %not3A_170 : vector<16xi1>
      %and3A_172 = arith.andi %ge3A_167, %not3A_171 : vector<16xi1>
      %swap3A_173 = arith.index_cast %add3A_155 : i32 to index
      %swap3A_174 = tpu.vector_load %arg5[%swap3A_173] masked %and3A_172 {strides = array<i32>} : memref<8256xf32, #tpu.memory_space<vmem>>, vector<16xf32>, vector<16xi1>
      tpu.vector_store %arg5[%swap3A_173], %get3A_165 masked %and3A_172 {strides = array<i32>} : memref<8256xf32, #tpu.memory_space<vmem>>, vector<16xf32>, vector<16xi1>
      %all_reduce_population_count3A_175 = tpu.all_reduce %and3A_172 {dim = 0 : i64, kind = #tpu.reduction_kind<sum>} : vector<16xi1> -> vector<16xi32>
      %slice3A_176 = vector.extract_strided_slice %all_reduce_population_count3A_175 {offsets = [0], sizes = [1], strides = [1]} : vector<16xi32> to vector<1xi32>
      %squeeze3A_177 = vector.extract %slice3A_176[0] : i32 from vector<1xi32>
      %add3A_178 = arith.addi %add3A_155, %squeeze3A_177 : i32
      %mul3A_179 = arith.constant 8 : i32
      %mul3A_180 = arith.muli %scan3A_90, %mul3A_179 : i32
      %add3A_181 = arith.constant 4 : i32
      %add3A_182 = arith.addi %mul3A_180, %add3A_181 : i32
      %mul3A_183 = arith.constant 16 : i32
      %mul3A_184 = arith.muli %add3A_182, %mul3A_183 : i32
      %get3A_185 = arith.constant 0 : i32
      %get3A_186 = arith.index_cast %get3A_185 : i32 to index
      %get3A_187 = arith.index_cast %mul3A_184 : i32 to index
      %get3A_188 = tpu.vector_load %arg4[%get3A_186, %get3A_187] {strides = array<i32>} : memref<1x8192xf32, #tpu.memory_space<vmem>>, vector<16xf32>,
      %ge3A_189 = vector.broadcast %bitcast_convert_type3A : f32 to vector<16xf32>
      %ge3A_190 = arith.cmpf oge, %get3A_188, %ge3A_189 : vector<16xf32>
      %ge3A_191 = vector.broadcast %bitcast_convert_type3A_27 : f32 to vector<16xf32>
      %ge3A_192 = arith.cmpf oge, %get3A_188, %ge3A_191 : vector<16xf32>
      %not3A_193 = arith.constant dense<true> : vector<16xi1>
      %not3A_194 = arith.xori %ge3A_192, %not3A_193 : vector<16xi1>
      %and3A_195 = arith.andi %ge3A_190, %not3A_194 : vector<16xi1>
      %swap3A_196 = arith.index_cast %add3A_178 : i32 to index
      %swap3A_197 = tpu.vector_load %arg5[%swap3A_196] masked %and3A_195 {strides = array<i32>} : memref<8256xf32, #tpu.memory_space<vmem>>, vector<16xf32>, vector<16xi1>
      tpu.vector_store %arg5[%swap3A_196], %get3A_188 masked %and3A_195 {strides = array<i32>} : memref<8256xf32, #tpu.memory_space<vmem>>, vector<16xf32>, vector<16xi1>
      %all_reduce_population_count3A_198 = tpu.all_reduce %and3A_195 {dim = 0 : i64, kind = #tpu.reduction_kind<sum>} : vector<16xi1> -> vector<16xi32>
      %slice3A_199 = vector.extract_strided_slice %all_reduce_population_count3A_198 {offsets = [0], sizes = [1], strides = [1]} : vector<16xi32> to vector<1xi32>
      %squeeze3A_200 = vector.extract %slice3A_199[0] : i32 from vector<1xi32>
      %add3A_201 = arith.addi %add3A_178, %squeeze3A_200 : i32
      %mul3A_202 = arith.constant 8 : i32
      %mul3A_203 = arith.muli %scan3A_90, %mul3A_202 : i32
      %add3A_204 = arith.constant 5 : i32
      %add3A_205 = arith.addi %mul3A_203, %add3A_204 : i32
      %mul3A_206 = arith.constant 16 : i32
      %mul3A_207 = arith.muli %add3A_205, %mul3A_206 : i32
      %get3A_208 = arith.constant 0 : i32
      %get3A_209 = arith.index_cast %get3A_208 : i32 to index
      %get3A_210 = arith.index_cast %mul3A_207 : i32 to index
      %get3A_211 = tpu.vector_load %arg4[%get3A_209, %get3A_210] {strides = array<i32>} : memref<1x8192xf32, #tpu.memory_space<vmem>>, vector<16xf32>,
      %ge3A_212 = vector.broadcast %bitcast_convert_type3A : f32 to vector<16xf32>
      %ge3A_213 = arith.cmpf oge, %get3A_211, %ge3A_212 : vector<16xf32>
      %ge3A_214 = vector.broadcast %bitcast_convert_type3A_27 : f32 to vector<16xf32>
      %ge3A_215 = arith.cmpf oge, %get3A_211, %ge3A_214 : vector<16xf32>
      %not3A_216 = arith.constant dense<true> : vector<16xi1>
      %not3A_217 = arith.xori %ge3A_215, %not3A_216 : vector<16xi1>
      %and3A_218 = arith.andi %ge3A_213, %not3A_217 : vector<16xi1>
      %swap3A_219 = arith.index_cast %add3A_201 : i32 to index
      %swap3A_220 = tpu.vector_load %arg5[%swap3A_219] masked %and3A_218 {strides = array<i32>} : memref<8256xf32, #tpu.memory_space<vmem>>, vector<16xf32>, vector<16xi1>
      tpu.vector_store %arg5[%swap3A_219], %get3A_211 masked %and3A_218 {strides = array<i32>} : memref<8256xf32, #tpu.memory_space<vmem>>, vector<16xf32>, vector<16xi1>
      %all_reduce_population_count3A_221 = tpu.all_reduce %and3A_218 {dim = 0 : i64, kind = #tpu.reduction_kind<sum>} : vector<16xi1> -> vector<16xi32>
      %slice3A_222 = vector.extract_strided_slice %all_reduce_population_count3A_221 {offsets = [0], sizes = [1], strides = [1]} : vector<16xi32> to vector<1xi32>
      %squeeze3A_223 = vector.extract %slice3A_222[0] : i32 from vector<1xi32>
      %add3A_224 = arith.addi %add3A_201, %squeeze3A_223 : i32
      %mul3A_225 = arith.constant 8 : i32
      %mul3A_226 = arith.muli %scan3A_90, %mul3A_225 : i32
      %add3A_227 = arith.constant 6 : i32
      %add3A_228 = arith.addi %mul3A_226, %add3A_227 : i32
      %mul3A_229 = arith.constant 16 : i32
      %mul3A_230 = arith.muli %add3A_228, %mul3A_229 : i32
      %get3A_231 = arith.constant 0 : i32
      %get3A_232 = arith.index_cast %get3A_231 : i32 to index
      %get3A_233 = arith.index_cast %mul3A_230 : i32 to index
      %get3A_234 = tpu.vector_load %arg4[%get3A_232, %get3A_233] {strides = array<i32>} : memref<1x8192xf32, #tpu.memory_space<vmem>>, vector<16xf32>,
      %ge3A_235 = vector.broadcast %bitcast_convert_type3A : f32 to vector<16xf32>
      %ge3A_236 = arith.cmpf oge, %get3A_234, %ge3A_235 : vector<16xf32>
      %ge3A_237 = vector.broadcast %bitcast_convert_type3A_27 : f32 to vector<16xf32>
      %ge3A_238 = arith.cmpf oge, %get3A_234, %ge3A_237 : vector<16xf32>
      %not3A_239 = arith.constant dense<true> : vector<16xi1>
      %not3A_240 = arith.xori %ge3A_238, %not3A_239 : vector<16xi1>
      %and3A_241 = arith.andi %ge3A_236, %not3A_240 : vector<16xi1>
      %swap3A_242 = arith.index_cast %add3A_224 : i32 to index
      %swap3A_243 = tpu.vector_load %arg5[%swap3A_242] masked %and3A_241 {strides = array<i32>} : memref<8256xf32, #tpu.memory_space<vmem>>, vector<16xf32>, vector<16xi1>
      tpu.vector_store %arg5[%swap3A_242], %get3A_234 masked %and3A_241 {strides = array<i32>} : memref<8256xf32, #tpu.memory_space<vmem>>, vector<16xf32>, vector<16xi1>
      %all_reduce_population_count3A_244 = tpu.all_reduce %and3A_241 {dim = 0 : i64, kind = #tpu.reduction_kind<sum>} : vector<16xi1> -> vector<16xi32>
      %slice3A_245 = vector.extract_strided_slice %all_reduce_population_count3A_244 {offsets = [0], sizes = [1], strides = [1]} : vector<16xi32> to vector<1xi32>
      %squeeze3A_246 = vector.extract %slice3A_245[0] : i32 from vector<1xi32>
      %add3A_247 = arith.addi %add3A_224, %squeeze3A_246 : i32
      %mul3A_248 = arith.constant 8 : i32
      %mul3A_249 = arith.muli %scan3A_90, %mul3A_248 : i32
      %add3A_250 = arith.constant 7 : i32
      %add3A_251 = arith.addi %mul3A_249, %add3A_250 : i32
      %mul3A_252 = arith.constant 16 : i32
      %mul3A_253 = arith.muli %add3A_251, %mul3A_252 : i32
      %get3A_254 = arith.constant 0 : i32
      %get3A_255 = arith.index_cast %get3A_254 : i32 to index
      %get3A_256 = arith.index_cast %mul3A_253 : i32 to index
      %get3A_257 = tpu.vector_load %arg4[%get3A_255, %get3A_256] {strides = array<i32>} : memref<1x8192xf32, #tpu.memory_space<vmem>>, vector<16xf32>,
      %ge3A_258 = vector.broadcast %bitcast_convert_type3A : f32 to vector<16xf32>
      %ge3A_259 = arith.cmpf oge, %get3A_257, %ge3A_258 : vector<16xf32>
      %ge3A_260 = vector.broadcast %bitcast_convert_type3A_27 : f32 to vector<16xf32>
      %ge3A_261 = arith.cmpf oge, %get3A_257, %ge3A_260 : vector<16xf32>
      %not3A_262 = arith.constant dense<true> : vector<16xi1>
      %not3A_263 = arith.xori %ge3A_261, %not3A_262 : vector<16xi1>
      %and3A_264 = arith.andi %ge3A_259, %not3A_263 : vector<16xi1>
      %swap3A_265 = arith.index_cast %add3A_247 : i32 to index
      %swap3A_266 = tpu.vector_load %arg5[%swap3A_265] masked %and3A_264 {strides = array<i32>} : memref<8256xf32, #tpu.memory_space<vmem>>, vector<16xf32>, vector<16xi1>
      tpu.vector_store %arg5[%swap3A_265], %get3A_257 masked %and3A_264 {strides = array<i32>} : memref<8256xf32, #tpu.memory_space<vmem>>, vector<16xf32>, vector<16xi1>
      %all_reduce_population_count3A_267 = tpu.all_reduce %and3A_264 {dim = 0 : i64, kind = #tpu.reduction_kind<sum>} : vector<16xi1> -> vector<16xi32>
      %slice3A_268 = vector.extract_strided_slice %all_reduce_population_count3A_267 {offsets = [0], sizes = [1], strides = [1]} : vector<16xi32> to vector<1xi32>
      %squeeze3A_269 = vector.extract %slice3A_268[0] : i32 from vector<1xi32>
      %add3A_270 = arith.addi %add3A_247, %squeeze3A_269 : i32
      scf.yield %add3A_270 : i32
    }
    %scan3A_34 = arith.constant 64 : i32
    %add3A_35 = arith.constant 0 : i32
    %add3A_36 = arith.addi %scan3A_33, %add3A_35 : i32
    %swap3A = arith.index_cast %add3A_36 : i32 to index
    %swap3A_37 = tpu.vector_load %arg5[%swap3A] {strides = array<i32>} : memref<8256xf32, #tpu.memory_space<vmem>>, vector<16xf32>,
    tpu.vector_store %arg5[%swap3A], %broadcast_in_dim3A_7 {strides = array<i32>} : memref<8256xf32, #tpu.memory_space<vmem>>, vector<16xf32>,
    %add3A_38 = arith.constant 16 : i32
    %add3A_39 = arith.addi %scan3A_33, %add3A_38 : i32
    %swap3A_40 = arith.index_cast %add3A_39 : i32 to index
    %swap3A_41 = tpu.vector_load %arg5[%swap3A_40] {strides = array<i32>} : memref<8256xf32, #tpu.memory_space<vmem>>, vector<16xf32>,
    tpu.vector_store %arg5[%swap3A_40], %broadcast_in_dim3A_7 {strides = array<i32>} : memref<8256xf32, #tpu.memory_space<vmem>>, vector<16xf32>,
    %add3A_42 = arith.constant 32 : i32
    %add3A_43 = arith.addi %scan3A_33, %add3A_42 : i32
    %swap3A_44 = arith.index_cast %add3A_43 : i32 to index
    %swap3A_45 = tpu.vector_load %arg5[%swap3A_44] {strides = array<i32>} : memref<8256xf32, #tpu.memory_space<vmem>>, vector<16xf32>,
    tpu.vector_store %arg5[%swap3A_44], %broadcast_in_dim3A_7 {strides = array<i32>} : memref<8256xf32, #tpu.memory_space<vmem>>, vector<16xf32>,
    %add3A_46 = arith.constant 48 : i32
    %add3A_47 = arith.addi %scan3A_33, %add3A_46 : i32
    %swap3A_48 = arith.index_cast %add3A_47 : i32 to index
    %swap3A_49 = tpu.vector_load %arg5[%swap3A_48] {strides = array<i32>} : memref<8256xf32, #tpu.memory_space<vmem>>, vector<16xf32>,
    tpu.vector_store %arg5[%swap3A_48], %broadcast_in_dim3A_7 {strides = array<i32>} : memref<8256xf32, #tpu.memory_space<vmem>>, vector<16xf32>,
    %sub3A = arith.subi %scan3A_13#1, %scan3A_33 : i32
    %add3A_50 = arith.constant 63 : i32
    %add3A_51 = arith.addi %scan3A_33, %add3A_50 : i32
    %jit3A = arith.constant 64 : i32
    %div3A = arith.divsi %add3A_51, %jit3A : i32
    %sign3A = arith.constant 0 : i32
    %sign3A_52 = arith.cmpi sgt, %add3A_51, %sign3A : i32
    %sign3A_53 = arith.extui %sign3A_52 : i1 to i32
    %sign3A_54 = arith.constant 0 : i32
    %sign3A_55 = arith.cmpi slt, %add3A_51, %sign3A_54 : i32
    %sign3A_56 = arith.extui %sign3A_55 : i1 to i32
    %sign3A_57 = arith.subi %sign3A_53, %sign3A_56 : i32
    %sign3A_58 = arith.constant 0 : i32
    %sign3A_59 = arith.cmpi sgt, %jit3A, %sign3A_58 : i32
    %sign3A_60 = arith.extui %sign3A_59 : i1 to i32
    %sign3A_61 = arith.constant 0 : i32
    %sign3A_62 = arith.cmpi slt, %jit3A, %sign3A_61 : i32
    %sign3A_63 = arith.extui %sign3A_62 : i1 to i32
    %sign3A_64 = arith.subi %sign3A_60, %sign3A_63 : i32
    %ne3A = arith.cmpi ne, %sign3A_57, %sign3A_64 : i32
    %rem3A = arith.remsi %add3A_51, %jit3A : i32
    %ne3A_65 = arith.constant 0 : i32
    %ne3A_66 = arith.cmpi ne, %rem3A, %ne3A_65 : i32
    %and3A = arith.andi %ne3A, %ne3A_66 : i1
    %sub3A_67 = arith.constant 1 : i32
    %sub3A_68 = arith.subi %div3A, %sub3A_67 : i32
    %select_n3A_69 = arith.select %and3A, %sub3A_68, %div3A : i32
    %scan3A_70 = arith.constant 0 : i32
    %scan3A_71 = arith.constant 22 : i32
    %scan3A_72 = arith.addi %scan3A_70, %scan3A_71 : i32
    %scan3A_73 = arith.constant 1 : i32
    %scan3A_74:2 = scf.for %scan3A_90 = %scan3A_70 to %scan3A_72 step %scan3A_73 iter_args(%scan3A_91 = %scan3A_13#0, %scan3A_92 = %scan3A_13#1) -> (i32, i32)  : i32 {
      %sub3A_93 = arith.constant 21 : i32
      %sub3A_94 = arith.subi %sub3A_93, %scan3A_90 : i32
      %shift_left3A = arith.constant 1 : i32
      %shift_left3A_95 = arith.shli %shift_left3A, %sub3A_94 : i32
      %or3A = arith.ori %scan3A_91, %shift_left3A_95 : i32
      %lt3A_96 = arith.constant 0 : i32
      %lt3A_97 = arith.cmpi slt, %or3A, %lt3A_96 : i32
      %xor3A_98 = arith.constant -2147483648 : i32
      %xor3A_99 = arith.xori %or3A, %xor3A_98 : i32
      %not3A_100 = arith.constant -1 : i32
      %not3A_101 = arith.xori %or3A, %not3A_100 : i32
      %select_n3A_102 = arith.select %lt3A_97, %xor3A_99, %not3A_101 : i32
      %bitcast_convert_type3A_103 = arith.bitcast %select_n3A_102 : i32 to f32
      %while3A = arith.constant 0 : i32
      %while3A_104 = arith.subi %select_n3A_69, %while3A : i32
      %while3A_105 = arith.addi %while3A, %while3A_104 : i32
      %while3A_106 = arith.constant 1 : i32
      %while3A_107 = arith.divsi %while3A_104, %while3A_106 : i32
      %while3A_108 = arith.muli %while3A_107, %while3A_106 : i32
      %while3A_109 = arith.addi %while3A, %while3A_108 : i32
      %while3A_110 = arith.constant 1 : i32
      %while3A_111:4 = scf.for %while3A_124 = %while3A to %while3A_109 step %while3A_110 iter_args(%while3A_125 = %broadcast_in_dim3A_5, %while3A_126 = %broadcast_in_dim3A_5, %while3A_127 = %broadcast_in_dim3A_5, %while3A_128 = %broadcast_in_dim3A_5) -> (vector<16xi32>, vector<16xi32>, vector<16xi32>, vector<16xi32>)  : i32 {
        %mul3A_129 = arith.constant 64 : i32
        %mul3A_130 = arith.muli %while3A_124, %mul3A_129 : i32
        %get3A = arith.index_cast %mul3A_130 : i32 to index
        %get3A_131 = tpu.vector_load %arg5[%get3A] {strides = array<i32>} : memref<8256xf32, #tpu.memory_space<vmem>>, vector<16xf32>,
        %ge3A_132 = vector.broadcast %bitcast_convert_type3A_103 : f32 to vector<16xf32>
        %ge3A_133 = arith.cmpf oge, %get3A_131, %ge3A_132 : vector<16xf32>
        %select_n3A_134 = arith.select %ge3A_133, %broadcast_in_dim3A_3, %broadcast_in_dim3A_5 : vector<16xi1>, vector<16xi32>
        %add3A_135 = arith.addi %while3A_125, %select_n3A_134 : vector<16xi32>
        %add3A_136 = arith.constant 16 : i32
        %add3A_137 = arith.addi %mul3A_130, %add3A_136 : i32
        %get3A_138 = arith.index_cast %add3A_137 : i32 to index
        %get3A_139 = tpu.vector_load %arg5[%get3A_138] {strides = array<i32>} : memref<8256xf32, #tpu.memory_space<vmem>>, vector<16xf32>,
        %ge3A_140 = vector.broadcast %bitcast_convert_type3A_103 : f32 to vector<16xf32>
        %ge3A_141 = arith.cmpf oge, %get3A_139, %ge3A_140 : vector<16xf32>
        %select_n3A_142 = arith.select %ge3A_141, %broadcast_in_dim3A_3, %broadcast_in_dim3A_5 : vector<16xi1>, vector<16xi32>
        %add3A_143 = arith.addi %while3A_126, %select_n3A_142 : vector<16xi32>
        %add3A_144 = arith.constant 32 : i32
        %add3A_145 = arith.addi %mul3A_130, %add3A_144 : i32
        %get3A_146 = arith.index_cast %add3A_145 : i32 to index
        %get3A_147 = tpu.vector_load %arg5[%get3A_146] {strides = array<i32>} : memref<8256xf32, #tpu.memory_space<vmem>>, vector<16xf32>,
        %ge3A_148 = vector.broadcast %bitcast_convert_type3A_103 : f32 to vector<16xf32>
        %ge3A_149 = arith.cmpf oge, %get3A_147, %ge3A_148 : vector<16xf32>
        %select_n3A_150 = arith.select %ge3A_149, %broadcast_in_dim3A_3, %broadcast_in_dim3A_5 : vector<16xi1>, vector<16xi32>
        %add3A_151 = arith.addi %while3A_127, %select_n3A_150 : vector<16xi32>
        %add3A_152 = arith.constant 48 : i32
        %add3A_153 = arith.addi %mul3A_130, %add3A_152 : i32
        %get3A_154 = arith.index_cast %add3A_153 : i32 to index
        %get3A_155 = tpu.vector_load %arg5[%get3A_154] {strides = array<i32>} : memref<8256xf32, #tpu.memory_space<vmem>>, vector<16xf32>,
        %ge3A_156 = vector.broadcast %bitcast_convert_type3A_103 : f32 to vector<16xf32>
        %ge3A_157 = arith.cmpf oge, %get3A_155, %ge3A_156 : vector<16xf32>
        %select_n3A_158 = arith.select %ge3A_157, %broadcast_in_dim3A_3, %broadcast_in_dim3A_5 : vector<16xi1>, vector<16xi32>
        %add3A_159 = arith.addi %while3A_128, %select_n3A_158 : vector<16xi32>
        scf.yield %add3A_135, %add3A_143, %add3A_151, %add3A_159 : vector<16xi32>, vector<16xi32>, vector<16xi32>, vector<16xi32>
      }
      %while3A_112 = arith.constant 1 : i32
      %while3A_113:4 = scf.for %while3A_124 = %while3A_109 to %while3A_105 step %while3A_112 iter_args(%while3A_125 = %while3A_111#0, %while3A_126 = %while3A_111#1, %while3A_127 = %while3A_111#2, %while3A_128 = %while3A_111#3) -> (vector<16xi32>, vector<16xi32>, vector<16xi32>, vector<16xi32>)  : i32 {
        %mul3A_129 = arith.constant 64 : i32
        %mul3A_130 = arith.muli %while3A_124, %mul3A_129 : i32
        %get3A = arith.index_cast %mul3A_130 : i32 to index
        %get3A_131 = tpu.vector_load %arg5[%get3A] {strides = array<i32>} : memref<8256xf32, #tpu.memory_space<vmem>>, vector<16xf32>,
        %ge3A_132 = vector.broadcast %bitcast_convert_type3A_103 : f32 to vector<16xf32>
        %ge3A_133 = arith.cmpf oge, %get3A_131, %ge3A_132 : vector<16xf32>
        %select_n3A_134 = arith.select %ge3A_133, %broadcast_in_dim3A_3, %broadcast_in_dim3A_5 : vector<16xi1>, vector<16xi32>
        %add3A_135 = arith.addi %while3A_125, %select_n3A_134 : vector<16xi32>
        %add3A_136 = arith.constant 16 : i32
        %add3A_137 = arith.addi %mul3A_130, %add3A_136 : i32
        %get3A_138 = arith.index_cast %add3A_137 : i32 to index
        %get3A_139 = tpu.vector_load %arg5[%get3A_138] {strides = array<i32>} : memref<8256xf32, #tpu.memory_space<vmem>>, vector<16xf32>,
        %ge3A_140 = vector.broadcast %bitcast_convert_type3A_103 : f32 to vector<16xf32>
        %ge3A_141 = arith.cmpf oge, %get3A_139, %ge3A_140 : vector<16xf32>
        %select_n3A_142 = arith.select %ge3A_141, %broadcast_in_dim3A_3, %broadcast_in_dim3A_5 : vector<16xi1>, vector<16xi32>
        %add3A_143 = arith.addi %while3A_126, %select_n3A_142 : vector<16xi32>
        %add3A_144 = arith.constant 32 : i32
        %add3A_145 = arith.addi %mul3A_130, %add3A_144 : i32
        %get3A_146 = arith.index_cast %add3A_145 : i32 to index
        %get3A_147 = tpu.vector_load %arg5[%get3A_146] {strides = array<i32>} : memref<8256xf32, #tpu.memory_space<vmem>>, vector<16xf32>,
        %ge3A_148 = vector.broadcast %bitcast_convert_type3A_103 : f32 to vector<16xf32>
        %ge3A_149 = arith.cmpf oge, %get3A_147, %ge3A_148 : vector<16xf32>
        %select_n3A_150 = arith.select %ge3A_149, %broadcast_in_dim3A_3, %broadcast_in_dim3A_5 : vector<16xi1>, vector<16xi32>
        %add3A_151 = arith.addi %while3A_127, %select_n3A_150 : vector<16xi32>
        %add3A_152 = arith.constant 48 : i32
        %add3A_153 = arith.addi %mul3A_130, %add3A_152 : i32
        %get3A_154 = arith.index_cast %add3A_153 : i32 to index
        %get3A_155 = tpu.vector_load %arg5[%get3A_154] {strides = array<i32>} : memref<8256xf32, #tpu.memory_space<vmem>>, vector<16xf32>,
        %ge3A_156 = vector.broadcast %bitcast_convert_type3A_103 : f32 to vector<16xf32>
        %ge3A_157 = arith.cmpf oge, %get3A_155, %ge3A_156 : vector<16xf32>
        %select_n3A_158 = arith.select %ge3A_157, %broadcast_in_dim3A_3, %broadcast_in_dim3A_5 : vector<16xi1>, vector<16xi32>
        %add3A_159 = arith.addi %while3A_128, %select_n3A_158 : vector<16xi32>
        scf.yield %add3A_135, %add3A_143, %add3A_151, %add3A_159 : vector<16xi32>, vector<16xi32>, vector<16xi32>, vector<16xi32>
      }
      %add3A_114 = arith.addi %while3A_113#0, %while3A_113#1 : vector<16xi32>
      %add3A_115 = arith.addi %add3A_114, %while3A_113#2 : vector<16xi32>
      %add3A_116 = arith.addi %add3A_115, %while3A_113#3 : vector<16xi32>
      %reduce_sum3A = arith.constant true
      %reduce_sum3A_117 = vector.broadcast %reduce_sum3A : i1 to vector<16xi1>
      %reduce_sum3A_118 = tpu.scan <sum>, %add3A_116 masked %reduce_sum3A_117 : vector<16xi32>, vector<16xi1> -> vector<16xi32>
      %reduce_sum3A_119 = vector.extract %reduce_sum3A_118[15] : i32 from vector<16xi32>
      %add3A_120 = arith.addi %sub3A, %reduce_sum3A_119 : i32
      %ge3A = arith.constant 409 : i32
      %ge3A_121 = arith.cmpi sge, %add3A_120, %ge3A : i32
      %select_n3A_122 = arith.select %ge3A_121, %or3A, %scan3A_91 : i32
      %select_n3A_123 = arith.select %ge3A_121, %add3A_120, %scan3A_92 : i32
      scf.yield %select_n3A_122, %select_n3A_123 : i32, i32
    }
    %scan3A_75 = arith.constant 22 : i32
    %lt3A_76 = arith.constant 0 : i32
    %lt3A_77 = arith.cmpi slt, %scan3A_74#0, %lt3A_76 : i32
    %xor3A_78 = arith.constant -2147483648 : i32
    %xor3A_79 = arith.xori %scan3A_74#0, %xor3A_78 : i32
    %not3A_80 = arith.constant -1 : i32
    %not3A_81 = arith.xori %scan3A_74#0, %not3A_80 : i32
    %select_n3A_82 = arith.select %lt3A_77, %xor3A_79, %not3A_81 : i32
    %bitcast_convert_type3A_83 = arith.bitcast %select_n3A_82 : i32 to f32
    %scan3A_84 = arith.constant 0 : i32
    %scan3A_85 = arith.constant 0 : i32
    %scan3A_86 = arith.constant 64 : i32
    %scan3A_87 = arith.addi %scan3A_85, %scan3A_86 : i32
    %scan3A_88 = arith.constant 1 : i32
    scf.for %scan3A_90 = %scan3A_85 to %scan3A_87 step %scan3A_88  : i32 {
      %mul3A_91 = arith.constant 8 : i32
      %mul3A_92 = arith.muli %scan3A_90, %mul3A_91 : i32
      %add3A_93 = arith.constant 0 : i32
      %add3A_94 = arith.addi %mul3A_92, %add3A_93 : i32
      %mul3A_95 = arith.constant 16 : i32
      %mul3A_96 = arith.muli %add3A_94, %mul3A_95 : i32
      %get3A = arith.constant 0 : i32
      %get3A_97 = arith.index_cast %get3A : i32 to index
      %get3A_98 = arith.index_cast %mul3A_96 : i32 to index
      %get3A_99 = tpu.vector_load %arg4[%get3A_97, %get3A_98] {strides = array<i32>} : memref<1x8192xf32, #tpu.memory_space<vmem>>, vector<16xf32>,
      %ge3A = vector.broadcast %bitcast_convert_type3A_83 : f32 to vector<16xf32>
      %ge3A_100 = arith.cmpf oge, %get3A_99, %ge3A : vector<16xf32>
      %jit3A_101 = arith.constant 0.000000e+00 : f32
      %broadcast_in_dim3A_102 = vector.broadcast %jit3A_101 : f32 to vector<16xf32>
      %select_n3A_103 = arith.select %ge3A_100, %get3A_99, %broadcast_in_dim3A_102 : vector<16xi1>, vector<16xf32>
      %swap3A_104 = arith.constant 0 : i32
      %swap3A_105 = arith.index_cast %swap3A_104 : i32 to index
      %swap3A_106 = arith.index_cast %mul3A_96 : i32 to index
      %swap3A_107 = tpu.vector_load %arg4[%swap3A_105, %swap3A_106] {strides = array<i32>} : memref<1x8192xf32, #tpu.memory_space<vmem>>, vector<16xf32>,
      tpu.vector_store %arg4[%swap3A_105, %swap3A_106], %select_n3A_103 {strides = array<i32>} : memref<1x8192xf32, #tpu.memory_space<vmem>>, vector<16xf32>,
      %mul3A_108 = arith.constant 8 : i32
      %mul3A_109 = arith.muli %scan3A_90, %mul3A_108 : i32
      %add3A_110 = arith.constant 1 : i32
      %add3A_111 = arith.addi %mul3A_109, %add3A_110 : i32
      %mul3A_112 = arith.constant 16 : i32
      %mul3A_113 = arith.muli %add3A_111, %mul3A_112 : i32
      %get3A_114 = arith.constant 0 : i32
      %get3A_115 = arith.index_cast %get3A_114 : i32 to index
      %get3A_116 = arith.index_cast %mul3A_113 : i32 to index
      %get3A_117 = tpu.vector_load %arg4[%get3A_115, %get3A_116] {strides = array<i32>} : memref<1x8192xf32, #tpu.memory_space<vmem>>, vector<16xf32>,
      %ge3A_118 = vector.broadcast %bitcast_convert_type3A_83 : f32 to vector<16xf32>
      %ge3A_119 = arith.cmpf oge, %get3A_117, %ge3A_118 : vector<16xf32>
      %jit3A_120 = arith.constant 0.000000e+00 : f32
      %broadcast_in_dim3A_121 = vector.broadcast %jit3A_120 : f32 to vector<16xf32>
      %select_n3A_122 = arith.select %ge3A_119, %get3A_117, %broadcast_in_dim3A_121 : vector<16xi1>, vector<16xf32>
      %swap3A_123 = arith.constant 0 : i32
      %swap3A_124 = arith.index_cast %swap3A_123 : i32 to index
      %swap3A_125 = arith.index_cast %mul3A_113 : i32 to index
      %swap3A_126 = tpu.vector_load %arg4[%swap3A_124, %swap3A_125] {strides = array<i32>} : memref<1x8192xf32, #tpu.memory_space<vmem>>, vector<16xf32>,
      tpu.vector_store %arg4[%swap3A_124, %swap3A_125], %select_n3A_122 {strides = array<i32>} : memref<1x8192xf32, #tpu.memory_space<vmem>>, vector<16xf32>,
      %mul3A_127 = arith.constant 8 : i32
      %mul3A_128 = arith.muli %scan3A_90, %mul3A_127 : i32
      %add3A_129 = arith.constant 2 : i32
      %add3A_130 = arith.addi %mul3A_128, %add3A_129 : i32
      %mul3A_131 = arith.constant 16 : i32
      %mul3A_132 = arith.muli %add3A_130, %mul3A_131 : i32
      %get3A_133 = arith.constant 0 : i32
      %get3A_134 = arith.index_cast %get3A_133 : i32 to index
      %get3A_135 = arith.index_cast %mul3A_132 : i32 to index
      %get3A_136 = tpu.vector_load %arg4[%get3A_134, %get3A_135] {strides = array<i32>} : memref<1x8192xf32, #tpu.memory_space<vmem>>, vector<16xf32>,
      %ge3A_137 = vector.broadcast %bitcast_convert_type3A_83 : f32 to vector<16xf32>
      %ge3A_138 = arith.cmpf oge, %get3A_136, %ge3A_137 : vector<16xf32>
      %jit3A_139 = arith.constant 0.000000e+00 : f32
      %broadcast_in_dim3A_140 = vector.broadcast %jit3A_139 : f32 to vector<16xf32>
      %select_n3A_141 = arith.select %ge3A_138, %get3A_136, %broadcast_in_dim3A_140 : vector<16xi1>, vector<16xf32>
      %swap3A_142 = arith.constant 0 : i32
      %swap3A_143 = arith.index_cast %swap3A_142 : i32 to index
      %swap3A_144 = arith.index_cast %mul3A_132 : i32 to index
      %swap3A_145 = tpu.vector_load %arg4[%swap3A_143, %swap3A_144] {strides = array<i32>} : memref<1x8192xf32, #tpu.memory_space<vmem>>, vector<16xf32>,
      tpu.vector_store %arg4[%swap3A_143, %swap3A_144], %select_n3A_141 {strides = array<i32>} : memref<1x8192xf32, #tpu.memory_space<vmem>>, vector<16xf32>,
      %mul3A_146 = arith.constant 8 : i32
      %mul3A_147 = arith.muli %scan3A_90, %mul3A_146 : i32
      %add3A_148 = arith.constant 3 : i32
      %add3A_149 = arith.addi %mul3A_147, %add3A_148 : i32
      %mul3A_150 = arith.constant 16 : i32
      %mul3A_151 = arith.muli %add3A_149, %mul3A_150 : i32
      %get3A_152 = arith.constant 0 : i32
      %get3A_153 = arith.index_cast %get3A_152 : i32 to index
      %get3A_154 = arith.index_cast %mul3A_151 : i32 to index
      %get3A_155 = tpu.vector_load %arg4[%get3A_153, %get3A_154] {strides = array<i32>} : memref<1x8192xf32, #tpu.memory_space<vmem>>, vector<16xf32>,
      %ge3A_156 = vector.broadcast %bitcast_convert_type3A_83 : f32 to vector<16xf32>
      %ge3A_157 = arith.cmpf oge, %get3A_155, %ge3A_156 : vector<16xf32>
      %jit3A_158 = arith.constant 0.000000e+00 : f32
      %broadcast_in_dim3A_159 = vector.broadcast %jit3A_158 : f32 to vector<16xf32>
      %select_n3A_160 = arith.select %ge3A_157, %get3A_155, %broadcast_in_dim3A_159 : vector<16xi1>, vector<16xf32>
      %swap3A_161 = arith.constant 0 : i32
      %swap3A_162 = arith.index_cast %swap3A_161 : i32 to index
      %swap3A_163 = arith.index_cast %mul3A_151 : i32 to index
      %swap3A_164 = tpu.vector_load %arg4[%swap3A_162, %swap3A_163] {strides = array<i32>} : memref<1x8192xf32, #tpu.memory_space<vmem>>, vector<16xf32>,
      tpu.vector_store %arg4[%swap3A_162, %swap3A_163], %select_n3A_160 {strides = array<i32>} : memref<1x8192xf32, #tpu.memory_space<vmem>>, vector<16xf32>,
      %mul3A_165 = arith.constant 8 : i32
      %mul3A_166 = arith.muli %scan3A_90, %mul3A_165 : i32
      %add3A_167 = arith.constant 4 : i32
      %add3A_168 = arith.addi %mul3A_166, %add3A_167 : i32
      %mul3A_169 = arith.constant 16 : i32
      %mul3A_170 = arith.muli %add3A_168, %mul3A_169 : i32
      %get3A_171 = arith.constant 0 : i32
      %get3A_172 = arith.index_cast %get3A_171 : i32 to index
      %get3A_173 = arith.index_cast %mul3A_170 : i32 to index
      %get3A_174 = tpu.vector_load %arg4[%get3A_172, %get3A_173] {strides = array<i32>} : memref<1x8192xf32, #tpu.memory_space<vmem>>, vector<16xf32>,
      %ge3A_175 = vector.broadcast %bitcast_convert_type3A_83 : f32 to vector<16xf32>
      %ge3A_176 = arith.cmpf oge, %get3A_174, %ge3A_175 : vector<16xf32>
      %jit3A_177 = arith.constant 0.000000e+00 : f32
      %broadcast_in_dim3A_178 = vector.broadcast %jit3A_177 : f32 to vector<16xf32>
      %select_n3A_179 = arith.select %ge3A_176, %get3A_174, %broadcast_in_dim3A_178 : vector<16xi1>, vector<16xf32>
      %swap3A_180 = arith.constant 0 : i32
      %swap3A_181 = arith.index_cast %swap3A_180 : i32 to index
      %swap3A_182 = arith.index_cast %mul3A_170 : i32 to index
      %swap3A_183 = tpu.vector_load %arg4[%swap3A_181, %swap3A_182] {strides = array<i32>} : memref<1x8192xf32, #tpu.memory_space<vmem>>, vector<16xf32>,
      tpu.vector_store %arg4[%swap3A_181, %swap3A_182], %select_n3A_179 {strides = array<i32>} : memref<1x8192xf32, #tpu.memory_space<vmem>>, vector<16xf32>,
      %mul3A_184 = arith.constant 8 : i32
      %mul3A_185 = arith.muli %scan3A_90, %mul3A_184 : i32
      %add3A_186 = arith.constant 5 : i32
      %add3A_187 = arith.addi %mul3A_185, %add3A_186 : i32
      %mul3A_188 = arith.constant 16 : i32
      %mul3A_189 = arith.muli %add3A_187, %mul3A_188 : i32
      %get3A_190 = arith.constant 0 : i32
      %get3A_191 = arith.index_cast %get3A_190 : i32 to index
      %get3A_192 = arith.index_cast %mul3A_189 : i32 to index
      %get3A_193 = tpu.vector_load %arg4[%get3A_191, %get3A_192] {strides = array<i32>} : memref<1x8192xf32, #tpu.memory_space<vmem>>, vector<16xf32>,
      %ge3A_194 = vector.broadcast %bitcast_convert_type3A_83 : f32 to vector<16xf32>
      %ge3A_195 = arith.cmpf oge, %get3A_193, %ge3A_194 : vector<16xf32>
      %jit3A_196 = arith.constant 0.000000e+00 : f32
      %broadcast_in_dim3A_197 = vector.broadcast %jit3A_196 : f32 to vector<16xf32>
      %select_n3A_198 = arith.select %ge3A_195, %get3A_193, %broadcast_in_dim3A_197 : vector<16xi1>, vector<16xf32>
      %swap3A_199 = arith.constant 0 : i32
      %swap3A_200 = arith.index_cast %swap3A_199 : i32 to index
      %swap3A_201 = arith.index_cast %mul3A_189 : i32 to index
      %swap3A_202 = tpu.vector_load %arg4[%swap3A_200, %swap3A_201] {strides = array<i32>} : memref<1x8192xf32, #tpu.memory_space<vmem>>, vector<16xf32>,
      tpu.vector_store %arg4[%swap3A_200, %swap3A_201], %select_n3A_198 {strides = array<i32>} : memref<1x8192xf32, #tpu.memory_space<vmem>>, vector<16xf32>,
      %mul3A_203 = arith.constant 8 : i32
      %mul3A_204 = arith.muli %scan3A_90, %mul3A_203 : i32
      %add3A_205 = arith.constant 6 : i32
      %add3A_206 = arith.addi %mul3A_204, %add3A_205 : i32
      %mul3A_207 = arith.constant 16 : i32
      %mul3A_208 = arith.muli %add3A_206, %mul3A_207 : i32
      %get3A_209 = arith.constant 0 : i32
      %get3A_210 = arith.index_cast %get3A_209 : i32 to index
      %get3A_211 = arith.index_cast %mul3A_208 : i32 to index
      %get3A_212 = tpu.vector_load %arg4[%get3A_210, %get3A_211] {strides = array<i32>} : memref<1x8192xf32, #tpu.memory_space<vmem>>, vector<16xf32>,
      %ge3A_213 = vector.broadcast %bitcast_convert_type3A_83 : f32 to vector<16xf32>
      %ge3A_214 = arith.cmpf oge, %get3A_212, %ge3A_213 : vector<16xf32>
      %jit3A_215 = arith.constant 0.000000e+00 : f32
      %broadcast_in_dim3A_216 = vector.broadcast %jit3A_215 : f32 to vector<16xf32>
      %select_n3A_217 = arith.select %ge3A_214, %get3A_212, %broadcast_in_dim3A_216 : vector<16xi1>, vector<16xf32>
      %swap3A_218 = arith.constant 0 : i32
      %swap3A_219 = arith.index_cast %swap3A_218 : i32 to index
      %swap3A_220 = arith.index_cast %mul3A_208 : i32 to index
      %swap3A_221 = tpu.vector_load %arg4[%swap3A_219, %swap3A_220] {strides = array<i32>} : memref<1x8192xf32, #tpu.memory_space<vmem>>, vector<16xf32>,
      tpu.vector_store %arg4[%swap3A_219, %swap3A_220], %select_n3A_217 {strides = array<i32>} : memref<1x8192xf32, #tpu.memory_space<vmem>>, vector<16xf32>,
      %mul3A_222 = arith.constant 8 : i32
      %mul3A_223 = arith.muli %scan3A_90, %mul3A_222 : i32
      %add3A_224 = arith.constant 7 : i32
      %add3A_225 = arith.addi %mul3A_223, %add3A_224 : i32
      %mul3A_226 = arith.constant 16 : i32
      %mul3A_227 = arith.muli %add3A_225, %mul3A_226 : i32
      %get3A_228 = arith.constant 0 : i32
      %get3A_229 = arith.index_cast %get3A_228 : i32 to index
      %get3A_230 = arith.index_cast %mul3A_227 : i32 to index
      %get3A_231 = tpu.vector_load %arg4[%get3A_229, %get3A_230] {strides = array<i32>} : memref<1x8192xf32, #tpu.memory_space<vmem>>, vector<16xf32>,
      %ge3A_232 = vector.broadcast %bitcast_convert_type3A_83 : f32 to vector<16xf32>
      %ge3A_233 = arith.cmpf oge, %get3A_231, %ge3A_232 : vector<16xf32>
      %jit3A_234 = arith.constant 0.000000e+00 : f32
      %broadcast_in_dim3A_235 = vector.broadcast %jit3A_234 : f32 to vector<16xf32>
      %select_n3A_236 = arith.select %ge3A_233, %get3A_231, %broadcast_in_dim3A_235 : vector<16xi1>, vector<16xf32>
      %swap3A_237 = arith.constant 0 : i32
      %swap3A_238 = arith.index_cast %swap3A_237 : i32 to index
      %swap3A_239 = arith.index_cast %mul3A_227 : i32 to index
      %swap3A_240 = tpu.vector_load %arg4[%swap3A_238, %swap3A_239] {strides = array<i32>} : memref<1x8192xf32, #tpu.memory_space<vmem>>, vector<16xf32>,
      tpu.vector_store %arg4[%swap3A_238, %swap3A_239], %select_n3A_236 {strides = array<i32>} : memref<1x8192xf32, #tpu.memory_space<vmem>>, vector<16xf32>,
    }
    %scan3A_89 = arith.constant 64 : i32
    "tpu.region"() ({
      %run_scoped3A = tpu.sem_alloc : memref<!tpu.dma_semaphore, #tpu.memory_space<semaphore_mem>>
      %dma_start3A = arith.constant 0 : i32
      %dma_start3A_90 = tpu.memref_slice %arg3[%mul3A_2, %dma_start3A] : memref<32x8192xf32, #tpu.memory_space<hbm>> -> memref<1x8192xf32, #tpu.memory_space<hbm>>
      %dma_start3A_91 = arith.constant 0 : i32
      %dma_start3A_92 = tpu.memref_slice %arg3[%mul3A_2, %dma_start3A_91] : memref<32x8192xf32, #tpu.memory_space<hbm>> -> memref<1x8192xf32, #tpu.memory_space<hbm>>
      tpu.enqueue_dma source(%arg4 : memref<1x8192xf32, #tpu.memory_space<vmem>>) target(%dma_start3A_92 : memref<1x8192xf32, #tpu.memory_space<hbm>>) target_semaphore(%run_scoped3A : memref<!tpu.dma_semaphore, #tpu.memory_space<semaphore_mem>>)
      %dma_wait3A = arith.constant 0 : i32
      %dma_wait3A_93 = tpu.memref_slice %arg3[%mul3A_2, %dma_wait3A] : memref<32x8192xf32, #tpu.memory_space<hbm>> -> memref<1x8192xf32, #tpu.memory_space<hbm>>
      %dma_wait3A_94 = arith.constant 0 : i32
      %dma_wait3A_95 = tpu.memref_slice %arg3[%mul3A_2, %dma_wait3A_94] : memref<32x8192xf32, #tpu.memory_space<hbm>> -> memref<1x8192xf32, #tpu.memory_space<hbm>>
      tpu.wait_dma2 semaphore(%run_scoped3A : memref<!tpu.dma_semaphore, #tpu.memory_space<semaphore_mem>>) src(%arg4 : memref<1x8192xf32, #tpu.memory_space<vmem>>) dst(%dma_wait3A_95 : memref<1x8192xf32, #tpu.memory_space<hbm>>)
      tpu.yield
    }) : () -> ()
    return
  }
}

module attributes {stable_mosaic.version = 14 : i64} {
  func.func @_tc_body(%arg0: memref<32x8192xf32, #tpu.memory_space<vmem>>, %arg1: memref<32x8192xf32, #tpu.memory_space<vmem>>) attributes {dimension_semantics = [], scalar_prefetch = 0 : i64, scratch_operands = 0 : i64, tpu.core_type = #tpu.core_type<tc>} {
    %get3A = arith.constant 0 : index
    %get3A_0 = arith.constant 0 : index
    %get3A_1 = vector.load %arg0[%get3A, %get3A_0] : memref<32x8192xf32, #tpu.memory_space<vmem>>, vector<32x8192xf32>
    %bitcast_convert_type3A = tpu.bitcast %get3A_1 : vector<32x8192xf32> -> vector<32x8192xi32>
    %ge3A = arith.constant 0 : i32
    %ge3A_2 = vector.broadcast %ge3A : i32 to vector<32x8192xi32>
    %ge3A_3 = arith.cmpi sge, %bitcast_convert_type3A, %ge3A_2 : vector<32x8192xi32>
    %xor3A = arith.constant 2147483647 : i32
    %xor3A_4 = vector.broadcast %xor3A : i32 to vector<32x8192xi32>
    %xor3A_5 = arith.xori %bitcast_convert_type3A, %xor3A_4 : vector<32x8192xi32>
    %select_n3A = arith.select %ge3A_3, %bitcast_convert_type3A, %xor3A_5 : vector<32x8192xi1>, vector<32x8192xi32>
    %eq3A = arith.constant -2147483648 : i32
    %eq3A_6 = vector.broadcast %eq3A : i32 to vector<32x8192xi32>
    %eq3A_7 = arith.cmpi eq, %bitcast_convert_type3A, %eq3A_6 : vector<32x8192xi32>
    %jit3A = arith.constant 0 : i32
    %broadcast_in_dim3A = vector.broadcast %jit3A : i32 to vector<32x8192xi32>
    %select_n3A_8 = arith.select %eq3A_7, %broadcast_in_dim3A, %select_n3A : vector<32x8192xi1>, vector<32x8192xi32>
    %broadcast_in_dim3A_9 = arith.constant 0 : i32
    %broadcast_in_dim3A_10 = vector.broadcast %broadcast_in_dim3A_9 : i32 to vector<32x1xi32>
    %scan3A = arith.constant 0 : i32
    %scan3A_11 = arith.constant 32 : i32
    %scan3A_12 = arith.addi %scan3A, %scan3A_11 : i32
    %scan3A_13 = arith.constant 1 : i32
    %scan3A_14 = scf.for %scan3A_26 = %scan3A to %scan3A_12 step %scan3A_13 iter_args(%scan3A_27 = %broadcast_in_dim3A_10) -> (vector<32x1xi32>)  : i32 {
      %sub3A = arith.constant 31 : i32
      %sub3A_28 = arith.subi %sub3A, %scan3A_26 : i32
      %shift_left3A = arith.constant 1 : i32
      %shift_left3A_29 = arith.shli %shift_left3A, %sub3A_28 : i32
      %or3A = vector.broadcast %shift_left3A_29 : i32 to vector<32x1xi32>
      %or3A_30 = arith.ori %scan3A_27, %or3A : vector<32x1xi32>
      %xor3A_31 = arith.constant -2147483648 : i32
      %xor3A_32 = vector.broadcast %xor3A_31 : i32 to vector<32x1xi32>
      %xor3A_33 = arith.xori %or3A_30, %xor3A_32 : vector<32x1xi32>
      %ge3A_34 = vector.broadcast %xor3A_33 : vector<32x1xi32> to vector<32x8192xi32>
      %ge3A_35 = arith.cmpi sge, %select_n3A_8, %ge3A_34 : vector<32x8192xi32>
      %convert_element_type3A = arith.extui %ge3A_35 : vector<32x8192xi1> to vector<32x8192xi32>
      %reduce_sum3A = arith.constant dense<0> : vector<32xi32>
      %reduce_sum3A_36 = vector.multi_reduction <add>, %convert_element_type3A, %reduce_sum3A [1] : vector<32x8192xi32> to vector<32xi32>
      %broadcast_in_dim3A_37 = vector.shape_cast %reduce_sum3A_36 : vector<32xi32> to vector<32x1xi32>
      %ge3A_38 = arith.constant 409 : i32
      %ge3A_39 = vector.broadcast %ge3A_38 : i32 to vector<32x1xi32>
      %ge3A_40 = arith.cmpi sge, %broadcast_in_dim3A_37, %ge3A_39 : vector<32x1xi32>
      %select_n3A_41 = arith.select %ge3A_40, %or3A_30, %scan3A_27 : vector<32x1xi1>, vector<32x1xi32>
      scf.yield %select_n3A_41 : vector<32x1xi32>
    }
    %scan3A_15 = arith.constant 32 : i32
    %xor3A_16 = arith.constant -2147483648 : i32
    %xor3A_17 = vector.broadcast %xor3A_16 : i32 to vector<32x1xi32>
    %xor3A_18 = arith.xori %scan3A_14, %xor3A_17 : vector<32x1xi32>
    %ge3A_19 = vector.broadcast %xor3A_18 : vector<32x1xi32> to vector<32x8192xi32>
    %ge3A_20 = arith.cmpi sge, %select_n3A_8, %ge3A_19 : vector<32x8192xi32>
    %jit3A_21 = arith.constant 0.000000e+00 : f32
    %broadcast_in_dim3A_22 = vector.broadcast %jit3A_21 : f32 to vector<32x8192xf32>
    %select_n3A_23 = arith.select %ge3A_20, %get3A_1, %broadcast_in_dim3A_22 : vector<32x8192xi1>, vector<32x8192xf32>
    %swap3A = arith.constant 0 : index
    %swap3A_24 = arith.constant 0 : index
    %swap3A_25 = vector.load %arg1[%swap3A, %swap3A_24] : memref<32x8192xf32, #tpu.memory_space<vmem>>, vector<32x8192xf32>
    tpu.vector_store %arg1[%swap3A, %swap3A_24], %select_n3A_23 {strides = array<i32>} : memref<32x8192xf32, #tpu.memory_space<vmem>>, vector<32x8192xf32>,
    return
  }
}

</mosaic_0001>

<sc_bundles>
// kernel: kernel.4.cloned.1.call-start
scs
__scs_entry_jumppad:
0x0: {  	(pc) =	sbr.rel $0x88, $3  }
0x1: {  	(tag) =	ssettag $0x0;
	lr =	simm.s32 $0x1  }
0x2: {  	[smem:$0x3FA0] =	sst lr;
	_ =	strace $0xD0000000  }
0x3: {  	_ = 	snop  }
0x4: {  	_ = 	snop  }
0x5: {  	_ = 	snop  }
0x6: {  	_ = 	snop  }
0x7: {  	_ = 	snop  }
__scs_overlays_trampoline_lowered:
0x8: {  	[smem:$0x3FAF] =	sst s0  }
0x9: {  	[smem:$0x3FB0] =	sst s1  }
0xa: {  	[smem:$0x3FB1] =	sst s2  }
0xb: {  	[smem:$0x3FB2] =	sst s3  }
0xc: {  	[smem:$0x3FB3] =	sst s4  }
0xd: {  	[smem:$0x3FB4] =	sst s5  }
0xe: {  	[smem:$0x3FB5] =	sst s6  }
0xf: {  	[smem:$0x3FB6] =	sst s7  }
0x10: {  	[smem:$0x3FB7] =	sst s8  }
0x11: {  	[smem:$0x3FB8] =	sst s9;
	s0 =	simm.s32 @!p0 $0x0  }
0x12: {  	s1 =	sld [smem:$0x3F9E];
	s0 =	simm.s32 @p0 $0x1  }
0x13: {  	[smem:$0x3FB9] =	sst s0;
	s0 =	simm.s32 @!p1 $0x0  }
0x14: {  	s2 =	sld [smem:$0x3F9D];
	s0 =	simm.s32 @p1 $0x1  }
0x15: {  	[smem:$0x3FBA] =	sst s0;
	s0 =	simm.s32 @!p2 $0x0  }
0x16: {  	s3 =	sld [smem:$0x3FDB];
	s0 =	simm.s32 @p2 $0x1  }
0x17: {  	s4 =	simm.s32 $0x1BF5;
	[smem:$0x3FBC] =	sst s0  }
0x18: {  	s0 =	sld [smem:$0x3F9F];
	_ =	swait.ge [sflag:s4], $0x0  }
0x19: {  	s7 =	sld [smem:$0x3FA0]  }
0x1a: {  	s8 =	sadd.s32 $0xFFFFE003, lr  }
0x1b: {  	s9 =	sadd.s32 $0xFFFFFEF7, lr;
	s5 =	simm.s32 $0xFFFFFFFF;
	p2 =	slt.u32 s8, $0xFFFFF086  }
0x1c: {  	p1 =	slt.u32 s9, $0xF7A;
	s5 =	simm.s32 @!p2 $0x0  }
0x1d: {  	s5 =	simm.s32 @p1 $0x1;
	p0 =	seq.s32 s7, s2  }
0x1e: {  	s7 =	smul.u32 @!p0 $0xF7A, s2;
	p2 =	seq.s32 @!p0 s5, $0x0  }
0x1f: {  	s9 =	smul.u32 $0xF7A, s1;
	s8 =	simm.s32 @!p0 $0x1BF5;
	p2 =	por !p2, p0  }
0x20: {  	[sflag:s8] =	ssyncset.s32 @!p0 $0xFFFFF086;
	s6 =	sadd.s32 @!p0 s3, s7;
	s7 =	simm.s32 @!p0 $0x108  }
0x21: {  	s3 =	sadd.s32 s3, s9;
	s6 =	sadd.s32 @!p0 $0x88, s6;
	s7 =	simm.s32 @p2 $0x1082  }
0x22: {  	[simem:s7], [sflag:s8] =	dma.local @!p0 [hbm:s6], $0xF7A  }
0x23: {  	s9 =	sor.u32 $0xD0000000, s2;
	s6 =	simm.s32 $0x108;
	_ =	swait.ge @!p0 [sflag:s8], $0x0  }
0x24: {  	s3 =	sadd.s32 $0x88, s3;
	s6 =	simm.s32 @!p1 $0x1082;
	[sflag:s4] =	ssyncset.s32 $0xFFFFF086  }
0x25: {  	[simem:s6], [sflag:s4] =	dma.local [hbm:s3], $0xF7A  }
0x26: {  	[smem:$0x3FA0] =	sst s1;
	(tag) =	ssettag s2;
	_ =	strace s9  }
0x27: {  	s1 =	sld [smem:$0x3FB0]  }
0x28: {  	s2 =	sld [smem:$0x3FB1]  }
0x29: {  	s4 =	sld [smem:$0x3FB3]  }
0x2a: {  	p0 =	seq.s32 s5, $0x0;
	s5 =	sld [smem:$0x3FB4]  }
0x2b: {  	s6 =	sld [smem:$0x3FB5]  }
0x2c: {  	s7 =	sld [smem:$0x3FB6]  }
0x2d: {  	s3 =	simm.s32 $0x108;
	s8 =	sld [smem:$0x3FB7]  }
0x2e: {  	s3 =	simm.s32 @!p0 $0x1082;
	s9 =	sld [smem:$0x3FB8]  }
0x2f: {  	lr =	sadd.s32 s0, s3;
	s0 =	sld [smem:$0x3FAF]  }
0x30: {  	s3 =	sld [smem:$0x3FB2]  }
0x31: {  	[smem:$0x3FBB] =	sst s10  }
0x32: {  	s10 =	sld [smem:$0x3FB9];
	_ =	sdelay $0x3  }
0x33: {  	p0 =	seq.s32 s10, $0x1;
	s10 =	sld [smem:$0x3FBB];
	_ =	sdelay $0x3  }
0x34: {  	[smem:$0x3FBB] =	sst s10  }
0x35: {  	s10 =	sld [smem:$0x3FBA];
	_ =	sdelay $0x3  }
0x36: {  	p1 =	seq.s32 s10, $0x1;
	s10 =	sld [smem:$0x3FBB];
	_ =	sdelay $0x3  }
0x37: {  	[smem:$0x3FBB] =	sst s10  }
0x38: {  	s10 =	sld [smem:$0x3FBC]  }
0x39: {  	_ = 	snop;
	(pc) =	sbr.ind lr, $3  }
0x3a: {  	_ = 	snop  }
0x3b: {  	_ = 	snop  }
0x3c: {  	p2 =	seq.s32 s10, $0x1;
	s10 =	sld [smem:$0x3FBB]  }
0x3d: {  	_ =	shalt  }
0x3e: {  	_ =	shalt  }
0x3f: {  	_ =	shalt  }
0x40: {  	_ =	shalt  }
0x41: {  	_ =	shalt  }
0x42: {  	_ =	shalt  }
0x43: {  	_ =	shalt  }
0x44: {  	_ =	shalt  }
0x45: {  	_ =	shalt  }
0x46: {  	_ =	shalt  }
0x47: {  	_ =	shalt  }
0x48: {  	_ =	shalt  }
0x49: {  	_ =	shalt  }
0x4a: {  	_ =	shalt  }
0x4b: {  	_ =	shalt  }
0x4c: {  	_ =	shalt  }
0x4d: {  	_ =	shalt  }
0x4e: {  	_ =	shalt  }
0x4f: {  	_ =	shalt  }
0x50: {  	_ =	shalt  }
0x51: {  	_ =	shalt  }
0x52: {  	_ =	shalt  }
0x53: {  	_ =	shalt  }
0x54: {  	_ =	shalt  }
0x55: {  	_ =	shalt  }
0x56: {  	_ =	shalt  }
0x57: {  	_ =	shalt  }
0x58: {  	_ =	shalt  }
0x59: {  	_ =	shalt  }
0x5a: {  	_ =	shalt  }
0x5b: {  	_ =	shalt  }
0x5c: {  	_ =	shalt  }
0x5d: {  	_ =	shalt  }
0x5e: {  	_ =	shalt  }
0x5f: {  	_ =	shalt  }
0x60: {  	_ =	shalt  }
0x61: {  	_ =	shalt  }
0x62: {  	_ =	shalt  }
0x63: {  	_ =	shalt  }
0x64: {  	_ =	shalt  }
0x65: {  	_ =	shalt  }
0x66: {  	_ =	shalt  }
0x67: {  	_ =	shalt  }
0x68: {  	_ =	shalt  }
0x69: {  	_ =	shalt  }
0x6a: {  	_ =	shalt  }
0x6b: {  	_ =	shalt  }
0x6c: {  	_ =	shalt  }
0x6d: {  	_ =	shalt  }
0x6e: {  	_ =	shalt  }
0x6f: {  	_ =	shalt  }
0x70: {  	_ =	shalt  }
0x71: {  	_ =	shalt  }
0x72: {  	_ =	shalt  }
0x73: {  	_ =	shalt  }
0x74: {  	_ =	shalt  }
0x75: {  	_ =	shalt  }
0x76: {  	_ =	shalt  }
0x77: {  	_ =	shalt  }
0x78: {  	_ =	shalt  }
0x79: {  	_ =	shalt  }
0x7a: {  	_ =	shalt  }
0x7b: {  	_ =	shalt  }
0x7c: {  	_ =	shalt  }
0x7d: {  	_ =	shalt  }
0x7e: {  	_ =	shalt  }
0x7f: {  	_ =	shalt  }
0x80: {  	_ =	shalt  }
0x81: {  	_ =	shalt  }
0x82: {  	_ =	shalt  }
0x83: {  	_ =	shalt  }
0x84: {  	_ =	shalt  }
0x85: {  	_ =	shalt  }
0x86: {  	_ =	shalt  }
0x87: {  	_ =	shalt  }
.Lfunc_end0:
.L_simem_size_0:
called_computation_lowered:
.L_overlay_start_0:
0x88: {  	s2 =	sld [smem:$0x3FD9]  }
0x89: {  	s3 =	sld [smem:$0x3FFE];
	_ =	sdelay $0x1  }
0x8a: {  	s1 =	srdreg.scid  }
0x8b: {  	s0 =	sand.u32 $0x1, s1  }
0x8c: {  	s17 =	sshll.u32 s0, $0xA;
	s2 =	sadd.s32 s3, s2  }
0x8d: {  	s2 =	sadd.s32 s2, s17  }
0x8e: {  	[smem:$0x3FC7] =	sst s2  }
0x8f: {  	_ = 	snop  }
0x90: {  	s2 =	sld [smem:$0x3FD0];
	(tm) =	ssettm $0x1  }
0x91: {  	s18 =	sld [smem:$0x3FFB];
	_ =	sdelay $0x3  }
0x92: {  	_ =	strace s18  }
0x93: {  	s3 =	sld [smem:$0x3FFC];
	_ =	sdelay $0x3  }
0x94: {  	_ =	strace s3  }
0x95: {  	s3 =	sld [smem:$0x3FFD];
	_ =	sdelay $0x3  }
0x96: {  	_ =	strace s3  }
0x97: {  	_ =	strace $0x8FFFFFFF  }
0x98: {  	s19 =	sld [smem:$0x3FDB];
	_ =	sdelay $0x1  }
0x99: {  	s4 =	simm.s32 $_scs_section_size  }
0x9a: {  	s5 =	simm.s32 $_size__tile_overlayer_lowered;
	s6 =	simm.s32 $_tile_overlayer_lowered  }
0x9b: {  	s22 =	simm.s32 $0x1BFF;
	s21 =	sshll.u32 s6, $0x1;
	s3 =	sadd.s32 s4, s19  }
0x9c: {  	s7 =	simm.s32 $0x0;
	s20 =	sshll.u32 s5, $0x1;
	s5 =	sadd.s32 s21, s3  }
0x9d: {  	[timem:s7], [sflag:s22] =	dma.local [hbm:s5], s20  }
0x9e: {  	_ =	swait.ge [sflag:s22], s20  }
0x9f: {  	s4 =	ssub.s32 $0x0, s20;
	[sflag:s22] =	ssyncset.done $0x0  }
0xa0: {  	[sflag:s22] =	ssyncadd.s32 s4;
	_ =	sdelay $0x1  }
0xa1: {  	s23 =	simm.s32 $0x1B8B  }
0xa2: {  	_ =	swait.ge [sflag:s23], $0x1  }
0xa3: {  	[sflag:s23] =	ssyncset.done $0x0  }
0xa4: {  	s25 =	simm.s32 $0x1B8E;
	s24 =	sld [smem:$0x3FFE];
	[sflag:s23] =	ssyncadd.s32 $0xFFFFFFFF  }
0xa5: {  	s26 =	simm.s32 $execute0_lowered;
	[smem:$0x3FD2] =	sst s25  }
0xa6: {  	s5 =	sshll.u32 s26, $0x1;
	_ =	strace $0x80000046;
	[dreg:$0x1] =	wrdreg $0xFFFFFFFF  }
0xa7: {  	s28 =	simm.s32 $_size_execute0_lowered;
	s3 =	sadd.s32 s3, s5;
	[dreg:$0x0] =	wrdreg $0x0  }
0xa8: {  	s5 =	sshll.u32 s28, $0x1;
	[dreg:$0x2] =	wrdreg s3  }
0xa9: {  	[dreg:$0x3] =	wrdreg s5  }
0xaa: {  	[dreg:$0x4] =	wrdreg $0xC0  }
0xab: {  	_ =	task [dreg:s7], $0x5FFFF  }
0xac: {  	[dreg:$0x1] =	wrdreg $0xFFFFFFFF  }
0xad: {  	[dreg:$0x0] =	wrdreg $0x60  }
0xae: {  	[dreg:$0x2] =	wrdreg s2  }
0xaf: {  	[dreg:$0x3] =	wrdreg s24  }
0xb0: {  	[dreg:$0x4] =	wrdreg $0x9  }
0xb1: {  	_ =	task.clear_ibuf [dreg:s7], $0x5FFFF;
	_ =	strace $0x90000046  }
0xb2: {  	s29 =	simm.s32 $0x9;
	_ =	strace $0x80000048  }
0xb3: {  	_ =	swait.ge [sflag:s29], $0x1  }
0xb4: {  	[sflag:s29] =	ssyncadd.s32 $0xFFFFFFFF  }
0xb5: {  	_ =	strace $0x90000048  }
0xb6: {  	_ =	sfence  }
0xb7: {  	s30 =	sld [smem:$0x0];
	_ =	sdelay $0x2  }
0xb8: {  	s31 =	sshll.u32 s1, $0xD;
	s1 =	sshrl.u32 s1, $0x2  }
0xb9: {  	s3 =	sand.u32 $0x4000, s31;
	s1 =	sadd.s32 s1, s30  }
0xba: {  	s0 =	sor.u32 s3, s0;
	s1 =	sshll.u32 s1, $0x11  }
0xbb: {  	s0 =	sor.u32 s1, s0  }
0xbc: {  	s0 =	sadd.s32 $0x8F2B, s0  }
0xbd: {  	[sflag:s0] =	ssyncadd.remote.s32 $0x1  }
0xbe: {  	_ =	sfence.sel $0xFFFF  }
0xbf: {  	[dreg:$0x0] =	wrdreg $0xFFFFFFFF;
	(pc) =	sbr.abs _section_cstart, $3  }
0xc0: {  	[dreg:$0x1] =	wrdreg $0xFFFFFFFF  }
0xc1: {  	_ =	task.clear_ibuf [dreg:s7], $0x2FFFF;
	_ =	strace $0x9FFFFFFF  }
0xc2: {  	(tm) =	ssettm $0x7FFFFFFF  }
0xc3: {  	_ =	shalt  }
tec
execute0_lowered:
.L_overlay_start_1:
0x0: {  	(tag) =	ssettag $0x1  }
0x1: {  	s3 =	rddreg [dreg:$0x0]  }
0x2: {  	s4 =	rddreg [dreg:$0x1]  }
0x3: {  	s0 =	rddreg [dreg:$0x2]  }
0x4: {  	s5 =	srdreg.scid;
	s1 =	stileid.u32  }
0x5: {  	s2 =	simm.s32 $0x0;
	s9 =	simm.s32 $0x80000000;
	s10 =	simm.s32 $0x200000  }
0x6: {  	s11 =	simm.s32 $0x0;
	s5 =	sand.u32 $0x1, s5;
	s6 =	sshll.u32 s1, $0x5  }
0x7: {  	s7 =	sshll.u32 s1, $0xB;
	[smem:$0x7FF] =	sst s2;
	s8 =	sshll.u32 s5, $0x4  }
0x8: {  	s6 =	sand.u32 $0x60, s6;
	s7 =	sand.u32 $0x6000, s7;
	s5 =	ssub.s32 $0x2, s5  }
0x9: {  	_ =	strace $0x80000047;
	s6 =	sor.u32 s8, s6;
	s31 =	sshrl.u32 s5, $0x1  }
0xa: {  	s8 =	simm.s32 $0x1;
	s6 =	sor.u32 s7, s6;
	s5 =	ssub.s32 s5, s31  }
0xb: {  	s7 =	simm.s32 $0x400;
	s4 =	sadd.s32 s6, s4;
	s3 =	sadd.s32 s3, s6  }
0xc: {  	v0 =	vimm.s32 $0x0;
	v1 =	vimm.f32 $-Inf;
	s5 =	smax.u32 s5, $0x1;
	s6 =	simm.s32 $0x80;
	s4 =	sadd.s32 $0x600, s4  }
.LBB2_1:
0xd: {  	[tilespmem:s2], [sflag:$0x1] =	stream.strided.gather [hbm4b:s3+s6], $0x2000, s7, s6, $0x38;
	[tilespmem:$0x4080] =	vst v63  }
0xe: {  	_ =	swait.ge [sflag:s8], $0x2000  }
0xf: {  	s13 =	simm.s32 $0x0;
	[sflag:s8] =	ssyncset.done $0x0  }
0x10: {  	s12 =	simm.s32 $0x0;
	s14 =	simm.s32 $0x0;
	[sflag:s8] =	ssyncadd.s32 $0xFFFFE000  }
.LBB2_2:
0x11: {  	s15 =	sshrl.u32 s9, s14  }
0x12: {  	s18 =	simm.s32 $0x0;
	s15 =	sor.u32 s15, s12  }
0x13: {  	s16 =	simm.s32 $0xFFFFFFFF;
	v3 =	vld [tilespmem:s18+$0x70];
	p0 =	sgt.s32 s15, $0xFFFFFFFF  }
0x14: {  	v4 =	vld [tilespmem:s18+$0x0];
	s16 =	simm.s32 @!p0 $0x80000000  }
0x15: {  	s16 =	sxor.u32 s15, s16  }
0x16: {  	v5 =	vld [tilespmem:s18+$0x10];
	v2 =	vmov s16  }
0x17: {  	v7 =	vimm.s32 $0x0;
	v13 =	vld [tilespmem:s18+$0x20];
	v2 =	vbroadcast v2, $0x0  }
0x18: {  	v10 =	vimm.s32 $0x0;
	v9 =	vimm.s32 $0x0;
	v6 =	vimm.s32 $0x0;
	v11 =	vld [tilespmem:s18+$0x30]  }
0x19: {  	v8 =	vimm.s32 $0x0;
	v14 =	vld [tilespmem:s18+$0x40];
	vm0 =	vge.f32 v3, v2;
	vm1 =	vge.f32 v4, v2  }
0x1a: {  	v12 =	vld [tilespmem:s18+$0x50];
	v4 =	vimm.s32 $0x0;
	v3 =	vsel vm0, $0x1, v0;
	v16 =	vsel vm1, $0x1, v0  }
0x1b: {  	s17 =	simm.s32 $0x400;
	v15 =	vld [tilespmem:s18+$0x60];
	s16 =	simm.s32 $0x80;
	vm0 =	vge.f32 v5, v2;
	v5 =	vimm.s32 $0x0;
	v3 =	vadd.s32 v3, v7  }
.LBB2_3:
0x1c: {  	p0 =	sne.s32 s17, $0x7E00;
	v17 =	vld [tilespmem:s16+$0x70];
	v7 =	vadd.s32 v16, v7;
	v16 =	vsel vm0, $0x1, v0;
	vm0 =	vge.f32 v13, v2  }
0x1d: {  	v18 =	vld [tilespmem:s16+$0x0];
	v10 =	vadd.s32 v16, v10;
	v13 =	vsel vm0, $0x1, v0;
	vm0 =	vge.f32 v11, v2  }
0x1e: {  	v19 =	vld [tilespmem:s16+$0x10];
	v9 =	vadd.s32 v13, v9;
	v11 =	vsel vm0, $0x1, v0;
	vm0 =	vge.f32 v14, v2  }
.Ltmp0:
0x1f: {  	v13 =	vld [tilespmem:s16+$0x20];
	v6 =	vadd.s32 v11, v6;
	v14 =	vsel vm0, $0x1, v0;
	vm0 =	vge.f32 v12, v2;
	(pc) =	sbr.rel @p0 .LBB2_3-.Ltmp0, $4  }
0x20: {  	v11 =	vld [tilespmem:s16+$0x30];
	v8 =	vadd.s32 v14, v8;
	v12 =	vsel vm0, $0x1, v0;
	vm0 =	vge.f32 v15, v2  }
0x21: {  	v14 =	vld [tilespmem:s16+$0x40];
	vm1 =	vge.f32 v17, v2;
	v5 =	vadd.s32 v12, v5;
	v15 =	vsel vm0, $0x1, v0  }
0x22: {  	vm0 =	vge.f32 v18, v2;
	v12 =	vld [tilespmem:s16+$0x50];
	v17 =	vsel vm1, $0x1, v0;
	v4 =	vadd.s32 v15, v4  }
0x23: {  	v16 =	vsel vm0, $0x1, v0;
	vm0 =	vge.f32 v19, v2;
	v15 =	vld [tilespmem:s16+$0x60];
	s16 =	sshra.s32 s17, $0x2;
	s17 =	sadd.s32 $0x200, s17;
	v3 =	vadd.s32 v17, v3  }
0x24: {  	v17 =	vld [tilespmem:s16+$0x70]  }
0x25: {  	v45 =	vld [tilespmem:s16+$0x0]  }
0x26: {  	v47 =	vld [tilespmem:s16+$0x10]  }
0x27: {  	v49 =	vld [tilespmem:s16+$0x20]  }
0x28: {  	v18 =	vsel vm0, $0x1, v0;
	v51 =	vld [tilespmem:s16+$0x30]  }
0x29: {  	v7 =	vadd.s32 v16, v7;
	vm4 =	vge.f32 v13, v2;
	v53 =	vld [tilespmem:s16+$0x40];
	v10 =	vadd.s32 v18, v10  }
0x2a: {  	v55 =	vld [tilespmem:s16+$0x50];
	v46 =	vsel vm4, $0x1, v0;
	vm5 =	vge.f32 v11, v2;
	vm1 =	vge.f32 v14, v2  }
0x2b: {  	v57 =	vld [tilespmem:s16+$0x60];
	v9 =	vadd.s32 v46, v9;
	v48 =	vsel vm5, $0x1, v0;
	v50 =	vsel vm1, $0x1, v0  }
0x2c: {  	v6 =	vadd.s32 v48, v6;
	vm6 =	vge.f32 v12, v2;
	v8 =	vadd.s32 v50, v8  }
0x2d: {  	v52 =	vsel vm6, $0x1, v0;
	vm7 =	vge.f32 v15, v2;
	vm8 =	vge.f32 v17, v2  }
0x2e: {  	v5 =	vadd.s32 v52, v5;
	v54 =	vsel vm7, $0x1, v0;
	vm9 =	vge.f32 v45, v2  }
0x2f: {  	vm10 =	vge.f32 v47, v2;
	vm11 =	vge.f32 v49, v2;
	vm12 =	vge.f32 v51, v2  }
0x30: {  	vm13 =	vge.f32 v53, v2;
	vm14 =	vge.f32 v55, v2;
	vm15 =	vge.f32 v57, v2  }
0x31: {  	v4 =	vadd.s32 v54, v4;
	v56 =	vsel vm9, $0x1, v0;
	v58 =	vsel vm10, $0x1, v0  }
0x32: {  	v59 =	vsel vm11, $0x1, v0;
	v7 =	vadd.s32 v56, v7;
	v10 =	vadd.s32 v58, v10  }
0x33: {  	v12 =	vsel vm12, $0x1, v0;
	v9 =	vadd.s32 v59, v9;
	v7 =	vadd.s32 v7, v10  }
0x34: {  	v60 =	vsel vm13, $0x1, v0;
	v6 =	vadd.s32 v12, v6;
	v7 =	vadd.s32 v9, v7  }
0x35: {  	v61 =	vsel vm14, $0x1, v0;
	v8 =	vadd.s32 v60, v8;
	v2 =	vadd.s32 v6, v7  }
0x36: {  	v62 =	vsel vm15, $0x1, v0;
	v5 =	vadd.s32 v61, v5;
	v2 =	vadd.s32 v8, v2  }
0x37: {  	v63 =	vsel vm8, $0x1, v0;
	v4 =	vadd.s32 v62, v4;
	v2 =	vadd.s32 v5, v2  }
0x38: {  	v3 =	vadd.s32 v63, v3;
	v2 =	vadd.s32 v4, v2  }
0x39: {  	v2 =	vadd.s32 v3, v2  }
0x3a: {  	(xrf0) =	vadd.scan.msk.s32 $0xffff, v2;
	_ =	sdelay $0x5  }
0x3b: {  	v2, _, _ =	vpop (xrf0)  }
0x3c: {  	(v2sf) =	vpush v2, $0xF;
	_ =	sdelay $0xa  }
0x3d: {  	s14 =	sadd.s32 $0x1, s14  }
0x3e: {  	p1 =	sne.s32 s14, $0xA  }
.Ltmp1:
0x3f: {  	_ = 	snop;
	(pc) =	sbr.rel @p1 .LBB2_2-.Ltmp1, $4  }
0x40: {  	_ = 	snop  }
0x41: {  	s16 =	spop (v2sf)  }
0x42: {  	p0 =	sgt.s32 s16, $0x198  }
0x43: {  	s12 =	smov.u32 @p0 s15;
	s13 =	smov.u32 @p0 s16  }
0x44: {  	p0 =	sgt.s32 s12, $0xFFFFFFFF  }
0x45: {  	s15 =	simm.s32 $0xFFFFFFFF;
	s16 =	sadd.s32 $0x400000, s12;
	s14 =	simm.s32 $0x0  }
0x46: {  	s17 =	ssub.s32 $0xFFBFFFFF, s12;
	p1 =	slt.s32 s16, $0x0;
	s16 =	sadd.s32 $0x80400000, s12;
	v4 =	vld [tilespmem:s14+$0x0]  }
0x47: {  	s15 =	simm.s32 @!p0 $0x80000000;
	s17 =	smov.u32 @p1 s16  }
0x48: {  	s15 =	sxor.u32 s12, s15;
	v2 =	vmov s17  }
0x49: {  	v5 =	vmov s15;
	v3 =	vbroadcast v2, $0x0  }
0x4a: {  	v2 =	vbroadcast v5, $0x0  }
0x4b: {  	vm0 =	vge.f32 v4, v3  }
0x4c: {  	vm1 =	vge.f32 v4, v2;
	vm0 =	vmneg vm0  }
0x4d: {  	s23 =	simm.s32 $0x0;
	vm0 =	vmand vm1, vm0  }
0x4e: {  	[tilespmem:s23+$0x2000] =	vst.msk vm0, v4;
	v4 =	vmpcnt.ones.xlane vm0  }
0x4f: {  	v5 =	vld [tilespmem:s14+$0x10]  }
0x50: {  	(v2sf) =	vpush v4, $0x0;
	_ =	sdelay $0x3  }
0x51: {  	vm0 =	vge.f32 v5, v3  }
0x52: {  	vm1 =	vge.f32 v5, v2;
	vm0 =	vmneg vm0  }
0x53: {  	vm0 =	vmand vm1, vm0  }
0x54: {  	v4 =	vmpcnt.ones.xlane vm0;
	_ =	sdelay $0x1  }
0x55: {  	(v2sf) =	vpush v4, $0x0;
	_ =	sdelay $0x5  }
0x56: {  	s24 =	spop (v2sf)  }
0x57: {  	s15 =	sadd.s32 $0x0, s24  }
0x58: {  	[tilespmem:s15+$0x2000] =	vst.msk vm0, v5  }
0x59: {  	v4 =	vld [tilespmem:s14+$0x20];
	_ =	sdelay $0x4  }
0x5a: {  	vm0 =	vge.f32 v4, v3  }
0x5b: {  	vm1 =	vge.f32 v4, v2;
	vm0 =	vmneg vm0;
	s25 =	spop (v2sf)  }
0x5c: {  	s15 =	sadd.s32 s15, s25;
	vm0 =	vmand vm1, vm0  }
0x5d: {  	[tilespmem:s15+$0x2000] =	vst.msk vm0, v4;
	v4 =	vmpcnt.ones.xlane vm0  }
0x5e: {  	v5 =	vld [tilespmem:s14+$0x30]  }
0x5f: {  	(v2sf) =	vpush v4, $0x0;
	_ =	sdelay $0x3  }
0x60: {  	vm0 =	vge.f32 v5, v3  }
0x61: {  	vm1 =	vge.f32 v5, v2;
	vm0 =	vmneg vm0  }
0x62: {  	vm0 =	vmand vm1, vm0  }
0x63: {  	v4 =	vmpcnt.ones.xlane vm0;
	_ =	sdelay $0x1  }
0x64: {  	(v2sf) =	vpush v4, $0x0;
	_ =	sdelay $0x5  }
0x65: {  	s26 =	spop (v2sf)  }
0x66: {  	s15 =	sadd.s32 s15, s26  }
0x67: {  	[tilespmem:s15+$0x2000] =	vst.msk vm0, v5  }
0x68: {  	v4 =	vld [tilespmem:s14+$0x40];
	_ =	sdelay $0x4  }
0x69: {  	vm0 =	vge.f32 v4, v3  }
0x6a: {  	vm1 =	vge.f32 v4, v2;
	vm0 =	vmneg vm0;
	s28 =	spop (v2sf)  }
0x6b: {  	s15 =	sadd.s32 s15, s28;
	vm0 =	vmand vm1, vm0  }
0x6c: {  	[tilespmem:s15+$0x2000] =	vst.msk vm0, v4;
	v4 =	vmpcnt.ones.xlane vm0  }
0x6d: {  	v5 =	vld [tilespmem:s14+$0x50]  }
0x6e: {  	(v2sf) =	vpush v4, $0x0;
	_ =	sdelay $0x3  }
0x6f: {  	vm0 =	vge.f32 v5, v3  }
0x70: {  	vm1 =	vge.f32 v5, v2;
	vm0 =	vmneg vm0  }
0x71: {  	vm0 =	vmand vm1, vm0  }
0x72: {  	v4 =	vmpcnt.ones.xlane vm0;
	_ =	sdelay $0x1  }
0x73: {  	(v2sf) =	vpush v4, $0x0;
	_ =	sdelay $0x5  }
0x74: {  	s29 =	spop (v2sf)  }
0x75: {  	s15 =	sadd.s32 s15, s29  }
0x76: {  	[tilespmem:s15+$0x2000] =	vst.msk vm0, v5  }
0x77: {  	v4 =	vld [tilespmem:s14+$0x60];
	_ =	sdelay $0x4  }
0x78: {  	vm0 =	vge.f32 v4, v3  }
0x79: {  	vm1 =	vge.f32 v4, v2;
	vm0 =	vmneg vm0;
	s30 =	spop (v2sf)  }
0x7a: {  	s15 =	sadd.s32 s15, s30;
	vm0 =	vmand vm1, vm0  }
0x7b: {  	[tilespmem:s15+$0x2000] =	vst.msk vm0, v4;
	v4 =	vmpcnt.ones.xlane vm0  }
0x7c: {  	v5 =	vld [tilespmem:s14+$0x70]  }
0x7d: {  	(v2sf) =	vpush v4, $0x0;
	_ =	sdelay $0x3  }
0x7e: {  	vm0 =	vge.f32 v5, v3  }
0x7f: {  	vm1 =	vge.f32 v5, v2;
	vm0 =	vmneg vm0  }
0x80: {  	vm0 =	vmand vm1, vm0  }
0x81: {  	v4 =	vmpcnt.ones.xlane vm0;
	_ =	sdelay $0x1  }
0x82: {  	(v2sf) =	vpush v4, $0x0;
	_ =	sdelay $0x5  }
0x83: {  	s31 =	spop (v2sf)  }
0x84: {  	s17 =	sadd.s32 s15, s31  }
0x85: {  	s14 =	simm.s32 $0x80;
	[tilespmem:s17+$0x2000] =	vst.msk vm0, v5  }
0x86: {  	v4 =	vld [tilespmem:s14+$0x0];
	_ =	sdelay $0x4  }
0x87: {  	vm1 =	vge.f32 v4, v3  }
0x88: {  	s15 =	simm.s32 $0x400;
	vm0 =	vge.f32 v4, v2;
	vm1 =	vmneg vm1;
	s16 =	spop (v2sf)  }
.LBB2_6:
0x89: {  	p0 =	sne.s32 s15, $0x7E00  }
0x8a: {  	vm0 =	vmand vm0, vm1;
	s17 =	sadd.s32 s17, s16;
	s16 =	smov.u32 s15;
	s15 =	sadd.s32 $0x200, s15  }
0x8b: {  	[tilespmem:s17+$0x2000] =	vst.msk vm0, v4;
	v4 =	vmpcnt.ones.xlane vm0  }
0x8c: {  	v5 =	vld [tilespmem:s14+$0x10]  }
0x8d: {  	(v2sf) =	vpush v4, $0x0;
	_ =	sdelay $0x3  }
0x8e: {  	vm0 =	vge.f32 v5, v3  }
0x8f: {  	vm1 =	vge.f32 v5, v2;
	vm0 =	vmneg vm0  }
0x90: {  	vm0 =	vmand vm1, vm0  }
0x91: {  	v4 =	vmpcnt.ones.xlane vm0;
	_ =	sdelay $0x1  }
0x92: {  	(v2sf) =	vpush v4, $0x0;
	_ =	sdelay $0x5  }
0x93: {  	s18 =	spop (v2sf)  }
0x94: {  	s17 =	sadd.s32 s17, s18  }
0x95: {  	[tilespmem:s17+$0x2000] =	vst.msk vm0, v5  }
0x96: {  	v4 =	vld [tilespmem:s14+$0x20];
	_ =	sdelay $0x4  }
0x97: {  	vm0 =	vge.f32 v4, v3  }
0x98: {  	vm1 =	vge.f32 v4, v2;
	vm0 =	vmneg vm0;
	s18 =	spop (v2sf)  }
0x99: {  	s17 =	sadd.s32 s17, s18;
	vm0 =	vmand vm1, vm0  }
0x9a: {  	[tilespmem:s17+$0x2000] =	vst.msk vm0, v4;
	v4 =	vmpcnt.ones.xlane vm0  }
0x9b: {  	v5 =	vld [tilespmem:s14+$0x30]  }
0x9c: {  	(v2sf) =	vpush v4, $0x0;
	_ =	sdelay $0x3  }
0x9d: {  	vm0 =	vge.f32 v5, v3  }
0x9e: {  	vm1 =	vge.f32 v5, v2;
	vm0 =	vmneg vm0  }
0x9f: {  	vm0 =	vmand vm1, vm0  }
0xa0: {  	v4 =	vmpcnt.ones.xlane vm0;
	_ =	sdelay $0x1  }
0xa1: {  	(v2sf) =	vpush v4, $0x0;
	_ =	sdelay $0x5  }
0xa2: {  	s18 =	spop (v2sf)  }
0xa3: {  	s17 =	sadd.s32 s17, s18  }
0xa4: {  	[tilespmem:s17+$0x2000] =	vst.msk vm0, v5  }
0xa5: {  	v4 =	vld [tilespmem:s14+$0x40];
	_ =	sdelay $0x4  }
0xa6: {  	vm0 =	vge.f32 v4, v3  }
0xa7: {  	vm1 =	vge.f32 v4, v2;
	vm0 =	vmneg vm0;
	s18 =	spop (v2sf)  }
0xa8: {  	s17 =	sadd.s32 s17, s18;
	vm0 =	vmand vm1, vm0  }
0xa9: {  	[tilespmem:s17+$0x2000] =	vst.msk vm0, v4;
	v4 =	vmpcnt.ones.xlane vm0  }
0xaa: {  	v5 =	vld [tilespmem:s14+$0x50]  }
0xab: {  	(v2sf) =	vpush v4, $0x0;
	_ =	sdelay $0x3  }
0xac: {  	vm0 =	vge.f32 v5, v3  }
0xad: {  	vm1 =	vge.f32 v5, v2;
	vm0 =	vmneg vm0  }
0xae: {  	vm0 =	vmand vm1, vm0  }
0xaf: {  	v4 =	vmpcnt.ones.xlane vm0;
	_ =	sdelay $0x1  }
0xb0: {  	(v2sf) =	vpush v4, $0x0;
	_ =	sdelay $0x5  }
0xb1: {  	s18 =	spop (v2sf)  }
0xb2: {  	s17 =	sadd.s32 s17, s18  }
0xb3: {  	[tilespmem:s17+$0x2000] =	vst.msk vm0, v5  }
0xb4: {  	v4 =	vld [tilespmem:s14+$0x60];
	_ =	sdelay $0x4  }
0xb5: {  	vm0 =	vge.f32 v4, v3  }
0xb6: {  	vm1 =	vge.f32 v4, v2;
	vm0 =	vmneg vm0;
	s18 =	spop (v2sf)  }
0xb7: {  	s17 =	sadd.s32 s17, s18;
	vm0 =	vmand vm1, vm0  }
0xb8: {  	[tilespmem:s17+$0x2000] =	vst.msk vm0, v4;
	v4 =	vmpcnt.ones.xlane vm0  }
0xb9: {  	v5 =	vld [tilespmem:s14+$0x70]  }
0xba: {  	(v2sf) =	vpush v4, $0x0;
	_ =	sdelay $0x3  }
0xbb: {  	vm0 =	vge.f32 v5, v3  }
0xbc: {  	vm1 =	vge.f32 v5, v2;
	vm0 =	vmneg vm0  }
0xbd: {  	vm0 =	vmand vm1, vm0  }
0xbe: {  	v4 =	vmpcnt.ones.xlane vm0;
	_ =	sdelay $0x1  }
0xbf: {  	(v2sf) =	vpush v4, $0x0;
	_ =	sdelay $0x5  }
0xc0: {  	s14 =	spop (v2sf)  }
0xc1: {  	s17 =	sadd.s32 s17, s14  }
0xc2: {  	s14 =	sshra.s32 s16, $0x2;
	[tilespmem:s17+$0x2000] =	vst.msk vm0, v5  }
0xc3: {  	v4 =	vld [tilespmem:s14+$0x0];
	_ =	sdelay $0x1  }
.Ltmp2:
0xc4: {  	(pc) =	sbr.rel @p0 .LBB2_6-.Ltmp2, $3  }
0xc5: {  	_ =	sdelay $0x1  }
0xc6: {  	vm1 =	vge.f32 v4, v3  }
0xc7: {  	vm0 =	vge.f32 v4, v2;
	vm1 =	vmneg vm1;
	s16 =	spop (v2sf)  }
0xc8: {  	vm0 =	vmand vm0, vm1;
	s15 =	sadd.s32 s17, s16  }
0xc9: {  	[tilespmem:s15+$0x2000] =	vst.msk vm0, v4;
	v55 =	vmpcnt.ones.xlane vm0  }
0xca: {  	v5 =	vld [tilespmem:s14+$0x10]  }
0xcb: {  	(v2sf) =	vpush v55, $0x0;
	_ =	sdelay $0x3  }
0xcc: {  	vm14 =	vge.f32 v5, v3  }
0xcd: {  	vm15 =	vge.f32 v5, v2;
	vm0 =	vmneg vm14  }
0xce: {  	vm0 =	vmand vm15, vm0  }
0xcf: {  	v56 =	vmpcnt.ones.xlane vm0;
	_ =	sdelay $0x1  }
0xd0: {  	(v2sf) =	vpush v56, $0x0;
	_ =	sdelay $0x5  }
0xd1: {  	s19 =	spop (v2sf)  }
0xd2: {  	s15 =	sadd.s32 s15, s19  }
0xd3: {  	[tilespmem:s15+$0x2000] =	vst.msk vm0, v5  }
0xd4: {  	v57 =	vld [tilespmem:s14+$0x20];
	_ =	sdelay $0x4  }
0xd5: {  	vm4 =	vge.f32 v57, v3  }
0xd6: {  	vm5 =	vge.f32 v57, v2;
	vm0 =	vmneg vm4;
	s20 =	spop (v2sf)  }
0xd7: {  	s15 =	sadd.s32 s15, s20;
	vm0 =	vmand vm5, vm0  }
0xd8: {  	[tilespmem:s15+$0x2000] =	vst.msk vm0, v57;
	v58 =	vmpcnt.ones.xlane vm0  }
0xd9: {  	v5 =	vld [tilespmem:s14+$0x30]  }
0xda: {  	(v2sf) =	vpush v58, $0x0;
	_ =	sdelay $0x3  }
0xdb: {  	vm6 =	vge.f32 v5, v3  }
0xdc: {  	vm7 =	vge.f32 v5, v2;
	vm0 =	vmneg vm6  }
0xdd: {  	vm0 =	vmand vm7, vm0  }
0xde: {  	v59 =	vmpcnt.ones.xlane vm0;
	_ =	sdelay $0x1  }
0xdf: {  	(v2sf) =	vpush v59, $0x0;
	_ =	sdelay $0x5  }
0xe0: {  	s21 =	spop (v2sf)  }
0xe1: {  	s15 =	sadd.s32 s15, s21  }
0xe2: {  	[tilespmem:s15+$0x2000] =	vst.msk vm0, v5  }
0xe3: {  	v60 =	vld [tilespmem:s14+$0x40];
	_ =	sdelay $0x4  }
0xe4: {  	vm8 =	vge.f32 v60, v3  }
0xe5: {  	vm9 =	vge.f32 v60, v2;
	vm0 =	vmneg vm8;
	s22 =	spop (v2sf)  }
0xe6: {  	s15 =	sadd.s32 s15, s22;
	vm0 =	vmand vm9, vm0  }
0xe7: {  	[tilespmem:s15+$0x2000] =	vst.msk vm0, v60;
	v61 =	vmpcnt.ones.xlane vm0  }
0xe8: {  	v5 =	vld [tilespmem:s14+$0x50]  }
0xe9: {  	(v2sf) =	vpush v61, $0x0;
	_ =	sdelay $0x3  }
0xea: {  	vm10 =	vge.f32 v5, v3  }
0xeb: {  	vm11 =	vge.f32 v5, v2;
	vm0 =	vmneg vm10  }
0xec: {  	vm0 =	vmand vm11, vm0  }
0xed: {  	v62 =	vmpcnt.ones.xlane vm0;
	_ =	sdelay $0x1  }
0xee: {  	(v2sf) =	vpush v62, $0x0;
	_ =	sdelay $0x5  }
0xef: {  	s23 =	spop (v2sf)  }
0xf0: {  	s15 =	sadd.s32 s15, s23  }
0xf1: {  	[tilespmem:s15+$0x2000] =	vst.msk vm0, v5  }
0xf2: {  	v63 =	vld [tilespmem:s14+$0x60];
	_ =	sdelay $0x4  }
0xf3: {  	vm12 =	vge.f32 v63, v3  }
0xf4: {  	vm13 =	vge.f32 v63, v2;
	vm0 =	vmneg vm12;
	s24 =	spop (v2sf)  }
0xf5: {  	s15 =	sadd.s32 s15, s24;
	vm0 =	vmand vm13, vm0  }
0xf6: {  	[tilespmem:s15+$0x2000] =	vst.msk vm0, v63  }
0xf7: {  	v4 =	vld [tilespmem:s14+$0x70];
	_ =	sdelay $0x4  }
0xf8: {  	vm14 =	vge.f32 v4, v3  }
0xf9: {  	vm2 =	vge.f32 v4, v2;
	vm1 =	vmneg vm14  }
0xfa: {  	v2 =	vmpcnt.ones.xlane vm0;
	vm15 =	vmand vm2, vm1  }
0xfb: {  	v3 =	vmpcnt.ones.xlane vm15  }
0xfc: {  	(v2sf) =	vpush v2, $0x0  }
0xfd: {  	(v2sf) =	vpush v3, $0x0;
	_ =	sdelay $0xd  }
0xfe: {  	s25 =	spop (v2sf)  }
0xff: {  	s14 =	sadd.s32 s15, s25;
	s26 =	spop (v2sf)  }
0x100: {  	s15 =	sadd.s32 s14, s26  }
0x101: {  	s28 =	sadd.s32 $0x3F, s15  }
0x102: {  	s29 =	sand.u32 $0x3F, s28  }
0x103: {  	s30 =	sshra.s32 s28, $0x1F;
	p1 =	slt.s32 s28, $0x1;
	p0 =	sne.s32 s29, $0x0  }
.Ltmp3:
0x104: {  	[tilespmem:s14+$0x2000] =	vst.msk vm15, v4;
	s31 =	sshrl.u32 s30, $0x1A;
	p0 =	por !p1, !p0;
	(pc) =	sbr.rel .LBB2_8-.Ltmp3, $4  }
0x105: {  	s16 =	simm.s32 $0x1;
	[tilespmem:s15+$0x2000] =	vst v1;
	s14 =	sadd.s32 s31, s28;
	p0 =	por !p0, !p0  }
0x106: {  	[tilespmem:s15+$0x2010] =	vst v1;
	s14 =	sshra.s32 s14, $0x6;
	s16 =	simm.s32 @!p0 $0x0  }
0x107: {  	[tilespmem:s15+$0x2020] =	vst v1;
	s14 =	ssub.s32 s14, s16  }
0x108: {  	[tilespmem:s15+$0x2030] =	vst v1;
	s13 =	ssub.s32 s13, s15;
	s15 =	simm.s32 $0x0;
	p0 =	slt.s32 s14, $0x1  }
.LBB2_9:
0x109: {  	v2 =	vimm.s32 $0x0  }
.LBB2_13:
0x10a: {  	(xrf0) =	vadd.scan.msk.s32 $0xffff, v2;
	_ =	sdelay $0x5  }
0x10b: {  	v2, _, _ =	vpop (xrf0)  }
0x10c: {  	(v2sf) =	vpush v2, $0xF;
	_ =	sdelay $0xb  }
0x10d: {  	s15 =	sadd.s32 $0x1, s15  }
0x10e: {  	p2 =	sne.s32 s15, $0x16  }
.Ltmp4:
0x10f: {  	_ = 	snop;
	(pc) =	sbr.rel @!p2 .LBB2_14-.Ltmp4, $4  }
0x110: {  	s17 =	spop (v2sf)  }
0x111: {  	s17 =	sadd.s32 s17, s13  }
0x112: {  	p1 =	sgt.s32 s17, $0x198  }
0x113: {  	s12 =	smov.u32 @p1 s16  }
.LBB2_8:
.Ltmp5:
0x114: {  	(pc) =	sbr.rel @p0 .LBB2_9-.Ltmp5, $3  }
0x115: {  	_ =	sdelay $0x1  }
0x116: {  	s16 =	sshrl.u32 s10, s15  }
0x117: {  	s16 =	sor.u32 s16, s12  }
0x118: {  	p1 =	sgt.s32 s12, $0xFFFFFFFF;
	s17 =	simm.s32 $0xFFFFFFFF;
	s18 =	simm.s32 $0x2020  }
0x119: {  	s17 =	simm.s32 @!p1 $0x80000000;
	v4 =	vld [tilespmem:s18+$0x10];
	p1 =	sne.s32 s14, $0x1  }
.Ltmp6:
0x11a: {  	v5 =	vld [tilespmem:s18+$0xFFFFFFF0];
	s17 =	sxor.u32 s16, s17;
	(pc) =	sbr.rel @!p1 .LBB2_12-.Ltmp6, $4  }
0x11b: {  	v6 =	vld [tilespmem:s18+$0x0];
	v2 =	vmov s17  }
0x11c: {  	v9 =	vld [tilespmem:s18+$0xFFFFFFE0];
	v3 =	vbroadcast v2, $0x0  }
0x11d: {  	v7 =	vimm.s32 $0x0;
	v8 =	vimm.s32 $0x0  }
0x11e: {  	s18 =	simm.s32 $0x2060;
	s17 =	sadd.s32 $0xFFFFFFFF, s14;
	v2 =	vimm.s32 $0x0;
	vm0 =	vge.f32 v4, v3;
	v4 =	vimm.s32 $0x0  }
.LBB2_11:
0x11f: {  	v10 =	vld [tilespmem:s18+$0x10];
	p1 =	sne.s32 s17, $0x1;
	s17 =	sadd.s32 $0xFFFFFFFF, s17;
	vm1 =	vge.f32 v5, v3;
	v11 =	vsel vm0, $0x1, v0  }
.Ltmp7:
0x120: {  	v5 =	vld [tilespmem:s18+$0xFFFFFFF0];
	v12 =	vsel vm1, $0x1, v0;
	vm0 =	vge.f32 v6, v3;
	v2 =	vadd.s32 v11, v2;
	(pc) =	sbr.rel @p1 .LBB2_11-.Ltmp7, $4  }
0x121: {  	v6 =	vld [tilespmem:s18+$0x0];
	vm1 =	vge.f32 v9, v3;
	v7 =	vadd.s32 v12, v7;
	v11 =	vsel vm0, $0x1, v0  }
0x122: {  	v9 =	vld [tilespmem:s18+$0xFFFFFFE0];
	v12 =	vsel vm1, $0x1, v0;
	v4 =	vadd.s32 v11, v4  }
0x123: {  	v8 =	vadd.s32 v12, v8  }
0x124: {  	s18 =	sadd.s32 $0x40, s18;
	vm0 =	vge.f32 v10, v3  }
.LBB2_12:
0x125: {  	_ =	sdelay $0x1  }
0x126: {  	vm1 =	vge.f32 v5, v3;
	vm2 =	vge.f32 v9, v3  }
.Ltmp8:
0x127: {  	v5 =	vsel vm1, $0x1, v0;
	vm15 =	vge.f32 v6, v3;
	v3 =	vsel vm2, $0x1, v0;
	(pc) =	sbr.rel .LBB2_13-.Ltmp8, $4  }
0x128: {  	v5 =	vadd.s32 v5, v7;
	v6 =	vsel vm15, $0x1, v0;
	v3 =	vadd.s32 v3, v8  }
0x129: {  	v63 =	vsel vm0, $0x1, v0;
	v4 =	vadd.s32 v6, v4;
	v3 =	vadd.s32 v3, v5  }
0x12a: {  	v2 =	vadd.s32 v63, v2;
	v3 =	vadd.s32 v4, v3  }
0x12b: {  	v2 =	vadd.s32 v2, v3  }
.LBB2_14:
0x12c: {  	p0 =	sgt.s32 s12, $0xFFFFFFFF;
	s14 =	simm.s32 $0xFFFFFFFF;
	s13 =	simm.s32 $0x0  }
0x12d: {  	s14 =	simm.s32 @!p0 $0x80000000;
	v5 =	vld [tilespmem:s13+$0x0]  }
0x12e: {  	v8 =	vld [tilespmem:s13+$0x10];
	s31 =	sxor.u32 s12, s14  }
0x12f: {  	v7 =	vld [tilespmem:s13+$0x20];
	v2 =	vmov s31  }
0x130: {  	v6 =	vld [tilespmem:s13+$0x30];
	v2 =	vbroadcast v2, $0x0  }
0x131: {  	v3 =	vld [tilespmem:s13+$0x40]  }
0x132: {  	v4 =	vld [tilespmem:s13+$0x50];
	vm0 =	vge.f32 v5, v2  }
0x133: {  	s12 =	simm.s32 $0x200;
	v9 =	vnsel vm0, $0x0, v5;
	vm0 =	vge.f32 v8, v2;
	v5 =	vld [tilespmem:s13+$0x60]  }
.LBB2_15:
0x134: {  	s14 =	sshra.s32 s12, $0x2;
	p0 =	sne.s32 s12, $0x7E00;
	[tilespmem:s13+$0x0] =	vst v9;
	v8 =	vnsel vm0, $0x0, v8;
	vm0 =	vge.f32 v7, v2;
	v9 =	vld [tilespmem:s13+$0x70]  }
0x135: {  	v10 =	vld [tilespmem:s14+$0x0];
	[tilespmem:s13+$0x10] =	vst v8;
	v7 =	vnsel vm0, $0x0, v7;
	vm0 =	vge.f32 v6, v2  }
0x136: {  	v8 =	vld [tilespmem:s14+$0x10];
	[tilespmem:s13+$0x20] =	vst v7;
	v6 =	vnsel vm0, $0x0, v6;
	vm0 =	vge.f32 v3, v2  }
.Ltmp9:
0x137: {  	v7 =	vld [tilespmem:s14+$0x20];
	[tilespmem:s13+$0x30] =	vst v6;
	v3 =	vnsel vm0, $0x0, v3;
	vm0 =	vge.f32 v4, v2;
	(pc) =	sbr.rel @p0 .LBB2_15-.Ltmp9, $4  }
0x138: {  	v6 =	vld [tilespmem:s14+$0x30];
	[tilespmem:s13+$0x40] =	vst v3;
	v4 =	vnsel vm0, $0x0, v4;
	vm0 =	vge.f32 v5, v2  }
0x139: {  	v3 =	vld [tilespmem:s14+$0x40];
	[tilespmem:s13+$0x50] =	vst v4;
	v5 =	vnsel vm0, $0x0, v5;
	vm0 =	vge.f32 v9, v2  }
0x13a: {  	vm1 =	vge.f32 v10, v2;
	v4 =	vld [tilespmem:s14+$0x50];
	[tilespmem:s13+$0x60] =	vst v5;
	v11 =	vnsel vm0, $0x0, v9  }
0x13b: {  	s12 =	sadd.s32 $0x200, s12;
	v9 =	vnsel vm1, $0x0, v10;
	vm0 =	vge.f32 v8, v2;
	v5 =	vld [tilespmem:s14+$0x60];
	[tilespmem:s13+$0x70] =	vst v11;
	s13 =	smov.u32 s14  }
0x13c: {  	[tilespmem:s13+$0x0] =	vst v9;
	v8 =	vnsel vm0, $0x0, v8;
	vm10 =	vge.f32 v7, v2;
	v63 =	vld [tilespmem:s13+$0x70]  }
0x13d: {  	[tilespmem:s13+$0x10] =	vst v8;
	v7 =	vnsel vm10, $0x0, v7;
	vm11 =	vge.f32 v6, v2  }
0x13e: {  	[tilespmem:s13+$0x20] =	vst v7;
	v6 =	vnsel vm11, $0x0, v6;
	vm12 =	vge.f32 v3, v2  }
0x13f: {  	[tilespmem:s13+$0x30] =	vst v6;
	v3 =	vnsel vm12, $0x0, v3;
	vm13 =	vge.f32 v4, v2  }
0x140: {  	[tilespmem:s13+$0x40] =	vst v3;
	v3 =	vnsel vm13, $0x0, v4;
	vm14 =	vge.f32 v5, v2  }
0x141: {  	s11 =	sadd.s32 $0x1, s11;
	[tilespmem:s13+$0x50] =	vst v3;
	v3 =	vnsel vm14, $0x0, v5;
	vm15 =	vge.f32 v63, v2  }
0x142: {  	p0 =	sne.s32 s11, s5;
	[tilespmem:s13+$0x60] =	vst v3;
	v2 =	vnsel vm15, $0x0, v63  }
.Ltmp10:
0x143: {  	[tilespmem:s13+$0x70] =	vst v2;
	(pc) =	sbr.rel @p0 .LBB2_1-.Ltmp10, $4  }
0x144: {  	[hbm4b:s4+s6] =	stream.strided.scatter [tilespmem:s2], [sflag:$0x1], $0x2000, s7, s6, $0x38;
	[tilespmem:$0x4080] =	vst v63  }
0x145: {  	_ =	swait.ge [sflag:s8], $0x2000  }
0x146: {  	[sflag:s8] =	ssyncset.done $0x0  }
0x147: {  	[sflag:s8] =	ssyncadd.s32 $0xFFFFE000  }
0x148: {  	_ =	sfence.sel $0x180000  }
0x149: {  	[bflag:$0x0] =	sbarrier.arrive $0xFFFF  }
0x14a: {  	p0 =	sne.s32 s1, $0x0;
	_ =	strace $0x90000047  }
0x14b: {  	s0 =	sadd.s32 @!p0 $0x100000, s0;
	[bflag:$0x2] =	sbarrier.arrive $0xFFFF  }
0x14c: {  	[sflag:s0] =	ssyncadd.tile.s32 @!p0 $0x1;
	_ =	shalt  }
.Lfunc_end2:
_tile_overlayer_lowered:
.L_overlay_start_2:
0x14d: {  	(tag) =	ssettag $0x2  }
0x14e: {  	s0 =	rddreg [dreg:$0x0];
	s2 =	stileid.u32  }
0x14f: {  	s1 =	rddreg [dreg:$0x1];
	p0 =	sne.s32 s2, $0x0  }
0x150: {  	s3 =	rddreg [dreg:$0x2];
	[bflag:$0x3] =	sbarrier.arrive $0xFFFF;
	s2 =	simm.s32 @!p0 $0x1C01  }
0x151: {  	[timem:s3], [sflag:s2] =	dma.local @!p0 [hbm:s0], s1  }
0x152: {  	s0 =	simm.s32 @!p0 $0x1  }
0x153: {  	_ =	swait.ge @!p0 [sflag:s0], s1  }
0x154: {  	s1 =	ssub.s32 @!p0 $0x0, s1;
	[sflag:s0] =	ssyncset.done @!p0 $0x0  }
0x155: {  	[sflag:s0] =	ssyncadd.s32 @!p0 s1  }
0x156: {  	[bflag:$0x3] =	sbarrier.arrive $0xFFFF  }
0x157: {  	_ =	shalt  }

</sc_bundles>
